<compile_context>
chip_gen: v7x
topology: tpu7x:2x2x1
jax: 0.10.2.dev20260603
libtpu: 0.0.44.dev20260713+nightly
codegen_flags: <defaults>
</compile_context>

<pallas_src>
import functools

import jax
import jax.numpy as jnp
from jax import lax
from jax.experimental import pallas as pl
from jax.experimental.pallas import tpu as pltpu
from jax.experimental.pallas import tpu_sc as plsc

B, S, M = 1, 2048, 1024
HEADS, HEAD_DIM = 16, 64
E, TOPK, DFF = 16, 2, 4096
T = B * S
CAP = 320
EP = 128
NROWS = 17 * CAP
DUMMY = E * CAP
SBLK = 256
FBLK = 1024
NW = 32
TPW = T // NW
CHUNK = 32


def _ln_qkv_body(x_ref, s_ref, b_ref, w_ref, wb_ref, o_ref):
    x = x_ref[...]
    mu = jnp.mean(x, axis=1, keepdims=True)
    var = jnp.mean((x - mu) ** 2, axis=1, keepdims=True)
    xn = (x - mu) / jnp.sqrt(var + 1e-5) * s_ref[...] + b_ref[...]
    o_ref[...] = lax.dot_general(
        xn.astype(jnp.bfloat16), w_ref[...].astype(jnp.bfloat16),
        (((1,), (1,)), ((), ())), preferred_element_type=jnp.float32,
    ) + wb_ref[...]


def _ln_qkv(xs, s, b, wbf, wb):
    return pl.pallas_call(
        _ln_qkv_body,
        grid=(T // SBLK,),
        in_specs=[
            pl.BlockSpec((SBLK, M), lambda i: (i, 0)),
            pl.BlockSpec((1, M), lambda i: (0, 0)),
            pl.BlockSpec((1, M), lambda i: (0, 0)),
            pl.BlockSpec((3 * M, M), lambda i: (0, 0)),
            pl.BlockSpec((1, 3 * M), lambda i: (0, 0)),
        ],
        out_specs=pl.BlockSpec((SBLK, 3 * M), lambda i: (i, 0)),
        out_shape=jax.ShapeDtypeStruct((T, 3 * M), jnp.float32),
    )(xs, s, b, wbf, wb)


KBLK = 512


def _attn_body(q_ref, k_ref, v_ref, o_ref):
    qi = pl.program_id(1)
    q2 = q_ref[...].astype(jnp.bfloat16)
    rows = qi * SBLK + lax.broadcasted_iota(jnp.int32, (SBLK, KBLK), 0)
    cols_i = lax.broadcasted_iota(jnp.int32, (SBLK, KBLK), 1)
    q_a = q2[:, :HEAD_DIM]
    q_b = q2[:, HEAD_DIM:]

    def chunk(kb, carry, masked):
        l_a, acc_a, l_b, acc_b = carry
        kv2 = k_ref[pl.ds(kb * KBLK, KBLK), :].astype(jnp.bfloat16)
        vv2 = v_ref[pl.ds(kb * KBLK, KBLK), :].astype(jnp.bfloat16)

        def one(q, k, v, l, acc):
            sc = lax.dot_general(q, k, (((1,), (1,)), ((), ())),
                                 preferred_element_type=jnp.float32) * 0.125
            if masked:
                sc = jnp.where(kb * KBLK + cols_i <= rows, sc, -1e9)
            p = jnp.exp(sc)
            ln = l + jnp.sum(p, axis=1, keepdims=True)
            accn = acc + lax.dot_general(
                p.astype(jnp.bfloat16), v, (((1,), (0,)), ((), ())),
                preferred_element_type=jnp.float32)
            return ln, accn

        l_a, acc_a = one(q_a, kv2[:, :HEAD_DIM], vv2[:, :HEAD_DIM], l_a, acc_a)
        l_b, acc_b = one(q_b, kv2[:, HEAD_DIM:], vv2[:, HEAD_DIM:], l_b, acc_b)
        return l_a, acc_a, l_b, acc_b

    l0 = jnp.zeros((SBLK, 1), jnp.float32)
    a0 = jnp.zeros((SBLK, HEAD_DIM), jnp.float32)
    nch = qi * SBLK // KBLK + 1
    carry = lax.fori_loop(0, nch - 1,
                          lambda kb, c: chunk(kb, c, masked=False),
                          (l0, a0, l0, a0))
    l_a, acc_a, l_b, acc_b = chunk(nch - 1, carry, masked=True)
    o_ref[...] = jnp.concatenate([acc_a / l_a, acc_b / l_b], axis=1)


def _attn(qkv):
    hp = HEADS // 2
    return pl.pallas_call(
        _attn_body,
        grid=(hp, T // SBLK),
        in_specs=[
            pl.BlockSpec((SBLK, 128), lambda h, i: (i, h)),
            pl.BlockSpec((S, 128), lambda h, i: (0, hp + h)),
            pl.BlockSpec((S, 128), lambda h, i: (0, 2 * hp + h)),
        ],
        out_specs=pl.BlockSpec((SBLK, 128), lambda h, i: (i, h)),
        out_shape=jax.ShapeDtypeStruct((T, M), jnp.float32),
    )(qkv, qkv, qkv)


def _oproj_route_body(c_ref, w_ref, wb_ref, x_ref, s_ref, b_ref, wg_ref,
                      x1_ref, x2n_ref, mi_ref, mf_ref, cnt_ref, base_s):
    i = pl.program_id(0)

    @pl.when(i == 0)
    def _():
        base_s[...] = jnp.zeros((8, EP), jnp.float32)

    x1 = x_ref[...] + lax.dot_general(
        c_ref[...].astype(jnp.bfloat16), w_ref[...].astype(jnp.bfloat16),
        (((1,), (0,)), ((), ())), preferred_element_type=jnp.float32,
    ) + wb_ref[...]
    x1_ref[...] = x1
    mu = jnp.mean(x1, axis=1, keepdims=True)
    var = jnp.mean((x1 - mu) ** 2, axis=1, keepdims=True)
    x2n = (x1 - mu) / jnp.sqrt(var + 1e-5) * s_ref[...] + b_ref[...]
    x2n_ref[...] = x2n
    logits = lax.dot_general(x2n, wg_ref[...], (((1,), (0,)), ((), ())),
                             preferred_element_type=jnp.float32)
    col = lax.broadcasted_iota(jnp.int32, (SBLK, EP), 1)
    logits = jnp.where(col < E, logits, -1e9)
    mx = jnp.max(logits, axis=1, keepdims=True)
    p = jnp.exp(logits - mx)
    p = p / jnp.sum(p, axis=1, keepdims=True)
    v1 = jnp.max(p, axis=1, keepdims=True)
    i1 = jnp.min(jnp.where(p == v1, col, EP), axis=1, keepdims=True)
    pm = jnp.where(col == i1, -1.0, p)
    v2 = jnp.max(pm, axis=1, keepdims=True)
    i2 = jnp.min(jnp.where(pm == v2, col, EP), axis=1, keepdims=True)
    gs = v1 + v2 + 1e-9
    g1 = v1 / gs
    g2 = v2 / gs
    oh1 = (col == i1).astype(jnp.float32)
    oh2 = (col == i2).astype(jnp.float32)
    s12 = oh1 + oh2
    tri = (lax.broadcasted_iota(jnp.int32, (SBLK, SBLK), 0)
           > lax.broadcasted_iota(jnp.int32, (SBLK, SBLK), 1)).astype(jnp.float32)
    base = base_s[0:1, :]
    excl = lax.dot_general(tri, s12, (((1,), (0,)), ((), ())),
                           preferred_element_type=jnp.float32) + base
    newbase = base + jnp.sum(s12, axis=0, keepdims=True)
    base_s[0:1, :] = newbase
    pos1 = jnp.sum(excl * oh1, axis=1, keepdims=True).astype(jnp.int32)
    pos2 = jnp.sum(excl * oh2, axis=1, keepdims=True).astype(jnp.int32)
    keep1 = pos1 < CAP
    keep2 = pos2 < CAP
    d1 = i1 * CAP + pos1
    d2 = i2 * CAP + pos2
    dsc1 = jnp.where(keep1, d1, DUMMY)
    dsc2 = jnp.where(keep2, d2, DUMMY)
    dsf1 = jnp.where(keep1, d1, 0)
    dsf2 = jnp.where(keep2, d2, 0)
    g1e = jnp.where(keep1, g1, 0.0)
    g2e = jnp.where(keep2, g2, 0.0)
    mi = jnp.where(col == 0, dsc1,
                   jnp.where(col == 1, dsc2,
                             jnp.where(col == 2, dsf1,
                                       jnp.where(col == 3, dsf2, 0))))
    mi_ref[...] = mi.astype(jnp.int32)
    mf_ref[...] = jnp.where(col == 0, g1e, jnp.where(col == 1, g2e, 0.0))

    @pl.when(i == T // SBLK - 1)
    def _():
        counts = jnp.minimum(newbase, float(CAP)).astype(jnp.int32)
        cnt_ref[...] = jnp.broadcast_to(counts, (8, EP))


def _oproj_route(ctx, ow, ob, xs, s, b, wgp):
    nb = T // SBLK
    return pl.pallas_call(
        _oproj_route_body,
        grid=(nb,),
        in_specs=[
            pl.BlockSpec((SBLK, M), lambda i: (i, 0)),
            pl.BlockSpec((M, M), lambda i: (0, 0)),
            pl.BlockSpec((1, M), lambda i: (0, 0)),
            pl.BlockSpec((SBLK, M), lambda i: (i, 0)),
            pl.BlockSpec((1, M), lambda i: (0, 0)),
            pl.BlockSpec((1, M), lambda i: (0, 0)),
            pl.BlockSpec((M, EP), lambda i: (0, 0)),
        ],
        out_specs=(
            pl.BlockSpec((SBLK, M), lambda i: (i, 0)),
            pl.BlockSpec((SBLK, M), lambda i: (i, 0)),
            pl.BlockSpec((SBLK, EP), lambda i: (i, 0)),
            pl.BlockSpec((SBLK, EP), lambda i: (i, 0)),
            pl.BlockSpec((8, EP), lambda i: (0, 0)),
        ),
        out_shape=(
            jax.ShapeDtypeStruct((T, M), jnp.float32),
            jax.ShapeDtypeStruct((T, M), jnp.float32),
            jax.ShapeDtypeStruct((T, EP), jnp.int32),
            jax.ShapeDtypeStruct((T, EP), jnp.float32),
            jax.ShapeDtypeStruct((8, EP), jnp.int32),
        ),
        scratch_shapes=[pltpu.VMEM((8, EP), jnp.float32)],
    )(ctx, ow, ob, xs, s, b, wgp)


def _dispatch(x2n, d0, d1):
    mesh = plsc.VectorSubcoreMesh(core_axis_name="c", subcore_axis_name="s")

    @functools.partial(
        pl.kernel, mesh=mesh,
        out_type=jax.ShapeDtypeStruct((NROWS, M), jnp.float32),
        scratch_types=[
            pltpu.VMEM((TPW, M), jnp.float32),
            pltpu.VMEM((TPW,), jnp.int32),
            pltpu.VMEM((TPW,), jnp.int32),
            pltpu.SemaphoreType.DMA,
        ],
    )
    def k(x2n_hbm, d0_hbm, d1_hbm, buf_hbm, rows_v, i0_v, i1_v, sem):
        wid = lax.axis_index("s") * 2 + lax.axis_index("c")
        base = wid * TPW
        pltpu.sync_copy(x2n_hbm.at[pl.ds(base, TPW)], rows_v)
        pltpu.sync_copy(d0_hbm.at[pl.ds(base, TPW)], i0_v)
        pltpu.sync_copy(d1_hbm.at[pl.ds(base, TPW)], i1_v)
        pltpu.async_copy(rows_v, buf_hbm.at[i0_v], sem).wait()
        pltpu.async_copy(rows_v, buf_hbm.at[i1_v], sem).wait()

    return k(x2n, d0, d1)


def _ffn_body(cnt_ref, xe_ref, w1_ref, w2_ref, o_ref):
    e = pl.program_id(0)
    f = pl.program_id(1)
    xe = xe_ref[...].astype(jnp.bfloat16)
    h = lax.dot_general(xe, w1_ref[0].astype(jnp.bfloat16),
                        (((1,), (0,)), ((), ())),
                        preferred_element_type=jnp.float32)
    h = jax.nn.gelu(h)
    part = lax.dot_general(h.astype(jnp.bfloat16),
                           w2_ref[0].astype(jnp.bfloat16),
                           (((1,), (0,)), ((), ())),
                           preferred_element_type=jnp.float32)

    @pl.when(f == 0)
    def _():
        o_ref[...] = part

    @pl.when(f > 0)
    def _():
        o_ref[...] += part

    @pl.when(f == DFF // FBLK - 1)
    def _():
        cnt = cnt_ref[e]
        rows = lax.broadcasted_iota(jnp.int32, (CAP, M), 0)
        o_ref[...] = jnp.where(rows < cnt, o_ref[...], 0.0)


def _ffn(cnt16, buf, w1bf, w2bf):
    return pl.pallas_call(
        _ffn_body,
        grid_spec=pltpu.PrefetchScalarGridSpec(
            num_scalar_prefetch=1,
            grid=(E, DFF // FBLK),
            in_specs=[
                pl.BlockSpec((CAP, M), lambda e, f, c: (e, 0)),
                pl.BlockSpec((1, M, FBLK), lambda e, f, c: (e, 0, f)),
                pl.BlockSpec((1, FBLK, M), lambda e, f, c: (e, f, 0)),
            ],
            out_specs=pl.BlockSpec((CAP, M), lambda e, f, c: (e, 0)),
        ),
        out_shape=jax.ShapeDtypeStruct((E * CAP, M), jnp.float32),
    )(cnt16, buf, w1bf, w2bf)


def _gather_sc(eo, s0, s1):
    mesh = plsc.VectorSubcoreMesh(core_axis_name="c", subcore_axis_name="s")

    @functools.partial(
        pl.kernel, mesh=mesh,
        out_type=(jax.ShapeDtypeStruct((T, M), jnp.float32),
                  jax.ShapeDtypeStruct((T, M), jnp.float32)),
        scratch_types=[
            pltpu.VMEM((TPW, M), jnp.float32),
            pltpu.VMEM((TPW,), jnp.int32),
            pltpu.SemaphoreType.DMA,
        ],
    )
    def k(eo_hbm, s0_hbm, s1_hbm, r0_hbm, r1_hbm, r_v, i_v, sem):
        wid = lax.axis_index("s") * 2 + lax.axis_index("c")
        base = wid * TPW
        pltpu.sync_copy(s0_hbm.at[pl.ds(base, TPW)], i_v)
        pltpu.async_copy(eo_hbm.at[i_v], r_v, sem).wait()
        pltpu.sync_copy(r_v, r0_hbm.at[pl.ds(base, TPW)])
        pltpu.sync_copy(s1_hbm.at[pl.ds(base, TPW)], i_v)
        pltpu.async_copy(eo_hbm.at[i_v], r_v, sem).wait()
        pltpu.sync_copy(r_v, r1_hbm.at[pl.ds(base, TPW)])

    return k(eo, s0, s1)


def _combine_body(x1_ref, r0_ref, r1_ref, mf_ref, o_ref):
    ga = mf_ref[:, 0:1]
    gb = mf_ref[:, 1:2]
    o_ref[...] = x1_ref[...] + ga * r0_ref[...] + gb * r1_ref[...]


def _combine_tc(x1, r0, r1, mf):
    return pl.pallas_call(
        _combine_body,
        grid=(T // SBLK,),
        in_specs=[
            pl.BlockSpec((SBLK, M), lambda i: (i, 0)),
            pl.BlockSpec((SBLK, M), lambda i: (i, 0)),
            pl.BlockSpec((SBLK, M), lambda i: (i, 0)),
            pl.BlockSpec((SBLK, EP), lambda i: (i, 0)),
        ],
        out_specs=pl.BlockSpec((SBLK, M), lambda i: (i, 0)),
        out_shape=jax.ShapeDtypeStruct((T, M), jnp.float32),
    )(x1, r0, r1, mf)


def kernel(x, ln1_scale, ln1_bias, attn_qkvw, attn_qkvb, attn_ow, attn_ob,
           ln2_scale, ln2_bias, w_gate, w1, w2):
    xs = x.reshape(T, M)
    qkv = _ln_qkv(xs, ln1_scale.reshape(1, M), ln1_bias.reshape(1, M),
                  attn_qkvw, attn_qkvb.reshape(1, 3 * M))
    ctx = _attn(qkv)
    wgp = jnp.pad(w_gate, ((0, 0), (0, EP - E)))
    x1, x2n, mi, mf, cnts = _oproj_route(
        ctx, attn_ow, attn_ob.reshape(1, M), xs,
        ln2_scale.reshape(1, M), ln2_bias.reshape(1, M), wgp)
    d0 = mi[:, 0]
    d1 = mi[:, 1]
    s0 = mi[:, 2]
    s1 = mi[:, 3]
    cnt16 = cnts[0, :E]
    buf = _dispatch(x2n, d0, d1)
    eo = _ffn(cnt16, buf, w1, w2)
    r0, r1 = _gather_sc(eo, s0, s1)
    out = _combine_tc(x1, r0, r1, mf)
    return out.reshape(B, S, M)

# --- scband reference (transcript-rebuilt; emitter-appended) ---
"""Pipeline reference for scband-moetransformer-layer-22127671509754 (READ-ONLY COPY).

The authoritative reference and input builder live on the scoring server;
editing this copy changes nothing except your own understanding.
"""

import jax, jax.numpy as jnp
import numpy as np

B, S, M = 1, 2048, 1024
HEADS, HEAD_DIM = 16, 64
E, TOPK, DFF = 16, 2, 4096
T = B * S
CAP = int(np.ceil(T * TOPK / E * 1.25))  # 320


def _layernorm(x, scale, bias, eps=1e-5):
    mu = x.mean(-1, keepdims=True)
    var = ((x - mu) ** 2).mean(-1, keepdims=True)
    return (x - mu) / jnp.sqrt(var + eps) * scale + bias


def setup_inputs(seed: int = 0):
    key = jax.random.key(seed)
    ks = jax.random.split(key, 8)
    return {
        "x": jax.random.normal(ks[0], (B, S, M), jnp.float32),
        "ln1_scale": jnp.ones((M,), jnp.float32),
        "ln1_bias": jnp.zeros((M,), jnp.float32),
        "attn_qkvw": 0.001 * jax.random.normal(ks[1], (3 * M, M), jnp.float32),
        "attn_qkvb": jnp.zeros((3 * M,), jnp.float32),
        "attn_ow": 0.001 * jax.random.normal(ks[2], (M, M), jnp.float32),
        "attn_ob": jnp.zeros((M,), jnp.float32),
        "ln2_scale": jnp.ones((M,), jnp.float32),
        "ln2_bias": jnp.zeros((M,), jnp.float32),
        "w_gate": 0.02 * jax.random.normal(ks[3], (M, E), jnp.float32),
        "w1": 0.02 * jax.random.normal(ks[4], (E, M, DFF), jnp.float32),
        "w2": 0.02 * jax.random.normal(ks[5], (E, DFF, M), jnp.float32),
    }


def _forward(x, ln1_scale, ln1_bias, attn_qkvw, attn_qkvb, attn_ow, attn_ob,
             ln2_scale, ln2_bias, w_gate, w1, w2):
    # ---- causal multi-head self-attention (pre-LN, residual) ----
    xn = _layernorm(x, ln1_scale, ln1_bias)
    qkv = xn @ attn_qkvw.T + attn_qkvb                       # [B,S,3M]
    qkv = qkv.reshape(B, S, 3, HEADS, HEAD_DIM)
    q, k, v = qkv[:, :, 0], qkv[:, :, 1], qkv[:, :, 2]        # [B,S,H,D]
    scores = jnp.einsum('bqhd,bkhd->bhqk', q, k) / np.sqrt(HEAD_DIM)
    causal = jnp.tril(jnp.ones((S, S), bool))
    scores = jnp.where(causal[None, None], scores, -1e9)
    attn_p = jax.nn.softmax(scores, axis=-1)
    ctx = jnp.einsum('bhqk,bkhd->bqhd', attn_p, v).reshape(B, S, M)
    attn_out = ctx @ attn_ow + attn_ob
    x1 = x + attn_out
    # ---- top-k token-choice MoE FFN with capacity-based dispatch ----
    x2n = _layernorm(x1, ln2_scale, ln2_bias).reshape(T, M)
    logits = x2n @ w_gate                                     # [T,E]
    gate_probs = jax.nn.softmax(logits, axis=-1)
    gate_vals, gate_idx = jax.lax.top_k(gate_probs, TOPK)     # [T,K]
    gate_vals = gate_vals / (gate_vals.sum(-1, keepdims=True) + 1e-9)
    oh = jax.nn.one_hot(gate_idx.reshape(-1), E, dtype=jnp.float32)   # [T*K,E]
    pos = jnp.cumsum(oh, axis=0) - oh                         # slots taken before each assignment
    pos = (pos * oh).sum(-1).astype(jnp.int32)                # [T*K]
    expert_flat = gate_idx.reshape(-1)
    keep = pos < CAP
    dest = jnp.where(keep, expert_flat * CAP + pos, E * CAP)  # overflow -> dummy slot
    x_rep = jnp.repeat(x2n, TOPK, axis=0)                     # [T*K, M]
    buf = jnp.zeros((E * CAP + 1, M), jnp.float32).at[dest].set(x_rep)
    expert_in = buf[:E * CAP].reshape(E, CAP, M)
    h = jax.nn.gelu(jnp.einsum('ecm,emf->ecf', expert_in, w1))
    eo = jnp.einsum('ecf,efm->ecm', h, w2).reshape(E * CAP, M)
    eo = jnp.concatenate([eo, jnp.zeros((1, M), jnp.float32)], axis=0)
    gathered = eo[dest]                                       # [T*K, M]
    combined = (gathered.reshape(T, TOPK, M) * gate_vals[..., None]).sum(1)
    return x1 + combined.reshape(B, S, M)


def reference(x, ln1_scale, ln1_bias, attn_qkvw, attn_qkvb, attn_ow, attn_ob,
              ln2_scale, ln2_bias, w_gate, w1, w2):
    return _forward(x, ln1_scale, ln1_bias, attn_qkvw, attn_qkvb, attn_ow,
                    attn_ob, ln2_scale, ln2_bias, w_gate, w1, w2)

if __name__ == "__main__":
    import jax
    _d = setup_inputs()
    print(jax.jit(kernel)(*tuple(_d.values())))

</pallas_src>

<mosaic_0001>
#map = affine_map<(d0, d1) -> (0, 0)>
#map1 = affine_map<(d0, d1) -> (0)>
module attributes {stable_mosaic.version = 14 : i64} {
  func.func @k(%arg0: i32, %arg1: i32, %arg2: memref<5120x1024xf32, #tpu.memory_space<hbm>>, %arg3: memref<2048xi32, #tpu.memory_space<hbm>>, %arg4: memref<2048xi32, #tpu.memory_space<hbm>>, %arg5: memref<2048x1024xf32, #tpu.memory_space<hbm>>, %arg6: memref<2048x1024xf32, #tpu.memory_space<hbm>>, %arg7: memref<64x1024xf32, #tpu.memory_space<vmem>>, %arg8: memref<64xi32, #tpu.memory_space<vmem>>, %arg9: memref<!tpu.dma_semaphore, #tpu.memory_space<semaphore_mem>>) attributes {dimension_semantics = [#tpu.dimension_semantics<core_parallel>, #tpu.dimension_semantics<subcore_parallel>], iteration_bounds = array<i64: 2, 16>, scalar_prefetch = 0 : i64, scratch_operands = 3 : i64, tpu.core_type = #tpu.core_type<sc_vector_subcore>, window_params = [{transform_indices = #map}, {transform_indices = #map1}, {transform_indices = #map1}, {transform_indices = #map}, {transform_indices = #map}]} {
    %mul3A = arith.constant 2 : i32
    %mul3A_0 = arith.muli %arg1, %mul3A : i32
    %add3A = arith.addi %mul3A_0, %arg0 : i32
    %mul3A_1 = arith.constant 64 : i32
    %mul3A_2 = arith.muli %add3A, %mul3A_1 : i32
    "tpu.region"() ({
      %run_scoped3A = tpu.sem_alloc : memref<!tpu.dma_semaphore, #tpu.memory_space<semaphore_mem>>
      %dma_start3A_13 = tpu.memref_slice %arg3[%mul3A_2] : memref<2048xi32, #tpu.memory_space<hbm>> -> memref<64xi32, #tpu.memory_space<hbm>>
      %dma_start3A_14 = tpu.memref_slice %arg3[%mul3A_2] : memref<2048xi32, #tpu.memory_space<hbm>> -> memref<64xi32, #tpu.memory_space<hbm>>
      tpu.enqueue_dma source(%dma_start3A_14 : memref<64xi32, #tpu.memory_space<hbm>>) target(%arg8 : memref<64xi32, #tpu.memory_space<vmem>>) target_semaphore(%run_scoped3A : memref<!tpu.dma_semaphore, #tpu.memory_space<semaphore_mem>>)
      %dma_wait3A_15 = tpu.memref_slice %arg3[%mul3A_2] : memref<2048xi32, #tpu.memory_space<hbm>> -> memref<64xi32, #tpu.memory_space<hbm>>
      %dma_wait3A_16 = tpu.memref_slice %arg3[%mul3A_2] : memref<2048xi32, #tpu.memory_space<hbm>> -> memref<64xi32, #tpu.memory_space<hbm>>
      tpu.wait_dma2 semaphore(%run_scoped3A : memref<!tpu.dma_semaphore, #tpu.memory_space<semaphore_mem>>) src(%dma_wait3A_16 : memref<64xi32, #tpu.memory_space<hbm>>) dst(%arg8 : memref<64xi32, #tpu.memory_space<vmem>>)
      tpu.yield
    }) : () -> ()
    %dma_start3A = arith.constant 0 : i32
    %dma_start3A_3 = arith.constant 0 : i32
    %dma_start3A_4 = tpu.memref_slice %arg2[%dma_start3A, %dma_start3A_3] : memref<5120x1024xf32, #tpu.memory_space<hbm>> -> memref<5120x1024xf32, #tpu.memory_space<hbm>>
    tpu.enqueue_indirect_dma source(%dma_start3A_4 : memref<5120x1024xf32, #tpu.memory_space<hbm>>) target(%arg7 : memref<64x1024xf32, #tpu.memory_space<vmem>>) offsets(%arg8 : memref<64xi32, #tpu.memory_space<vmem>>) semaphore(%arg9 : memref<!tpu.dma_semaphore, #tpu.memory_space<semaphore_mem>>)
    %dma_wait3A = arith.constant 0 : i32
    %dma_wait3A_5 = arith.constant 0 : i32
    %dma_wait3A_6 = tpu.memref_slice %arg2[%dma_wait3A, %dma_wait3A_5] : memref<5120x1024xf32, #tpu.memory_space<hbm>> -> memref<5120x1024xf32, #tpu.memory_space<hbm>>
    tpu.wait_indirect_dma semaphore(%arg9 : memref<!tpu.dma_semaphore, #tpu.memory_space<semaphore_mem>>) src(%dma_wait3A_6 : memref<5120x1024xf32, #tpu.memory_space<hbm>>) dst(%arg7 : memref<64x1024xf32, #tpu.memory_space<vmem>>)
    "tpu.region"() ({
      %run_scoped3A = tpu.sem_alloc : memref<!tpu.dma_semaphore, #tpu.memory_space<semaphore_mem>>
      %dma_start3A_13 = arith.constant 0 : i32
      %dma_start3A_14 = tpu.memref_slice %arg5[%mul3A_2, %dma_start3A_13] : memref<2048x1024xf32, #tpu.memory_space<hbm>> -> memref<64x1024xf32, #tpu.memory_space<hbm>>
      %dma_start3A_15 = arith.constant 0 : i32
      %dma_start3A_16 = tpu.memref_slice %arg5[%mul3A_2, %dma_start3A_15] : memref<2048x1024xf32, #tpu.memory_space<hbm>> -> memref<64x1024xf32, #tpu.memory_space<hbm>>
      tpu.enqueue_dma source(%arg7 : memref<64x1024xf32, #tpu.memory_space<vmem>>) target(%dma_start3A_16 : memref<64x1024xf32, #tpu.memory_space<hbm>>) target_semaphore(%run_scoped3A : memref<!tpu.dma_semaphore, #tpu.memory_space<semaphore_mem>>)
      %dma_wait3A_17 = arith.constant 0 : i32
      %dma_wait3A_18 = tpu.memref_slice %arg5[%mul3A_2, %dma_wait3A_17] : memref<2048x1024xf32, #tpu.memory_space<hbm>> -> memref<64x1024xf32, #tpu.memory_space<hbm>>
      %dma_wait3A_19 = arith.constant 0 : i32
      %dma_wait3A_20 = tpu.memref_slice %arg5[%mul3A_2, %dma_wait3A_19] : memref<2048x1024xf32, #tpu.memory_space<hbm>> -> memref<64x1024xf32, #tpu.memory_space<hbm>>
      tpu.wait_dma2 semaphore(%run_scoped3A : memref<!tpu.dma_semaphore, #tpu.memory_space<semaphore_mem>>) src(%arg7 : memref<64x1024xf32, #tpu.memory_space<vmem>>) dst(%dma_wait3A_20 : memref<64x1024xf32, #tpu.memory_space<hbm>>)
      tpu.yield
    }) : () -> ()
    "tpu.region"() ({
      %run_scoped3A = tpu.sem_alloc : memref<!tpu.dma_semaphore, #tpu.memory_space<semaphore_mem>>
      %dma_start3A_13 = tpu.memref_slice %arg4[%mul3A_2] : memref<2048xi32, #tpu.memory_space<hbm>> -> memref<64xi32, #tpu.memory_space<hbm>>
      %dma_start3A_14 = tpu.memref_slice %arg4[%mul3A_2] : memref<2048xi32, #tpu.memory_space<hbm>> -> memref<64xi32, #tpu.memory_space<hbm>>
      tpu.enqueue_dma source(%dma_start3A_14 : memref<64xi32, #tpu.memory_space<hbm>>) target(%arg8 : memref<64xi32, #tpu.memory_space<vmem>>) target_semaphore(%run_scoped3A : memref<!tpu.dma_semaphore, #tpu.memory_space<semaphore_mem>>)
      %dma_wait3A_15 = tpu.memref_slice %arg4[%mul3A_2] : memref<2048xi32, #tpu.memory_space<hbm>> -> memref<64xi32, #tpu.memory_space<hbm>>
      %dma_wait3A_16 = tpu.memref_slice %arg4[%mul3A_2] : memref<2048xi32, #tpu.memory_space<hbm>> -> memref<64xi32, #tpu.memory_space<hbm>>
      tpu.wait_dma2 semaphore(%run_scoped3A : memref<!tpu.dma_semaphore, #tpu.memory_space<semaphore_mem>>) src(%dma_wait3A_16 : memref<64xi32, #tpu.memory_space<hbm>>) dst(%arg8 : memref<64xi32, #tpu.memory_space<vmem>>)
      tpu.yield
    }) : () -> ()
    %dma_start3A_7 = arith.constant 0 : i32
    %dma_start3A_8 = arith.constant 0 : i32
    %dma_start3A_9 = tpu.memref_slice %arg2[%dma_start3A_7, %dma_start3A_8] : memref<5120x1024xf32, #tpu.memory_space<hbm>> -> memref<5120x1024xf32, #tpu.memory_space<hbm>>
    tpu.enqueue_indirect_dma source(%dma_start3A_9 : memref<5120x1024xf32, #tpu.memory_space<hbm>>) target(%arg7 : memref<64x1024xf32, #tpu.memory_space<vmem>>) offsets(%arg8 : memref<64xi32, #tpu.memory_space<vmem>>) semaphore(%arg9 : memref<!tpu.dma_semaphore, #tpu.memory_space<semaphore_mem>>)
    %dma_wait3A_10 = arith.constant 0 : i32
    %dma_wait3A_11 = arith.constant 0 : i32
    %dma_wait3A_12 = tpu.memref_slice %arg2[%dma_wait3A_10, %dma_wait3A_11] : memref<5120x1024xf32, #tpu.memory_space<hbm>> -> memref<5120x1024xf32, #tpu.memory_space<hbm>>
    tpu.wait_indirect_dma semaphore(%arg9 : memref<!tpu.dma_semaphore, #tpu.memory_space<semaphore_mem>>) src(%dma_wait3A_12 : memref<5120x1024xf32, #tpu.memory_space<hbm>>) dst(%arg7 : memref<64x1024xf32, #tpu.memory_space<vmem>>)
    "tpu.region"() ({
      %run_scoped3A = tpu.sem_alloc : memref<!tpu.dma_semaphore, #tpu.memory_space<semaphore_mem>>
      %dma_start3A_13 = arith.constant 0 : i32
      %dma_start3A_14 = tpu.memref_slice %arg6[%mul3A_2, %dma_start3A_13] : memref<2048x1024xf32, #tpu.memory_space<hbm>> -> memref<64x1024xf32, #tpu.memory_space<hbm>>
      %dma_start3A_15 = arith.constant 0 : i32
      %dma_start3A_16 = tpu.memref_slice %arg6[%mul3A_2, %dma_start3A_15] : memref<2048x1024xf32, #tpu.memory_space<hbm>> -> memref<64x1024xf32, #tpu.memory_space<hbm>>
      tpu.enqueue_dma source(%arg7 : memref<64x1024xf32, #tpu.memory_space<vmem>>) target(%dma_start3A_16 : memref<64x1024xf32, #tpu.memory_space<hbm>>) target_semaphore(%run_scoped3A : memref<!tpu.dma_semaphore, #tpu.memory_space<semaphore_mem>>)
      %dma_wait3A_17 = arith.constant 0 : i32
      %dma_wait3A_18 = tpu.memref_slice %arg6[%mul3A_2, %dma_wait3A_17] : memref<2048x1024xf32, #tpu.memory_space<hbm>> -> memref<64x1024xf32, #tpu.memory_space<hbm>>
      %dma_wait3A_19 = arith.constant 0 : i32
      %dma_wait3A_20 = tpu.memref_slice %arg6[%mul3A_2, %dma_wait3A_19] : memref<2048x1024xf32, #tpu.memory_space<hbm>> -> memref<64x1024xf32, #tpu.memory_space<hbm>>
      tpu.wait_dma2 semaphore(%run_scoped3A : memref<!tpu.dma_semaphore, #tpu.memory_space<semaphore_mem>>) src(%arg7 : memref<64x1024xf32, #tpu.memory_space<vmem>>) dst(%dma_wait3A_20 : memref<64x1024xf32, #tpu.memory_space<hbm>>)
      tpu.yield
    }) : () -> ()
    return
  }
}

#map = affine_map<(d0, d1) -> (0, 0)>
#map1 = affine_map<(d0, d1) -> (0)>
module attributes {stable_mosaic.version = 14 : i64} {
  func.func @k(%arg0: i32, %arg1: i32, %arg2: memref<2048x1024xf32, #tpu.memory_space<hbm>>, %arg3: memref<2048xi32, #tpu.memory_space<hbm>>, %arg4: memref<2048xi32, #tpu.memory_space<hbm>>, %arg5: memref<5440x1024xf32, #tpu.memory_space<hbm>>, %arg6: memref<64x1024xf32, #tpu.memory_space<vmem>>, %arg7: memref<64xi32, #tpu.memory_space<vmem>>, %arg8: memref<64xi32, #tpu.memory_space<vmem>>, %arg9: memref<!tpu.dma_semaphore, #tpu.memory_space<semaphore_mem>>) attributes {dimension_semantics = [#tpu.dimension_semantics<core_parallel>, #tpu.dimension_semantics<subcore_parallel>], iteration_bounds = array<i64: 2, 16>, scalar_prefetch = 0 : i64, scratch_operands = 4 : i64, tpu.core_type = #tpu.core_type<sc_vector_subcore>, window_params = [{transform_indices = #map}, {transform_indices = #map1}, {transform_indices = #map1}, {transform_indices = #map}]} {
    %mul3A = arith.constant 2 : i32
    %mul3A_0 = arith.muli %arg1, %mul3A : i32
    %add3A = arith.addi %mul3A_0, %arg0 : i32
    %mul3A_1 = arith.constant 64 : i32
    %mul3A_2 = arith.muli %add3A, %mul3A_1 : i32
    "tpu.region"() ({
      %run_scoped3A = tpu.sem_alloc : memref<!tpu.dma_semaphore, #tpu.memory_space<semaphore_mem>>
      %dma_start3A_13 = arith.constant 0 : i32
      %dma_start3A_14 = tpu.memref_slice %arg2[%mul3A_2, %dma_start3A_13] : memref<2048x1024xf32, #tpu.memory_space<hbm>> -> memref<64x1024xf32, #tpu.memory_space<hbm>>
      %dma_start3A_15 = arith.constant 0 : i32
      %dma_start3A_16 = tpu.memref_slice %arg2[%mul3A_2, %dma_start3A_15] : memref<2048x1024xf32, #tpu.memory_space<hbm>> -> memref<64x1024xf32, #tpu.memory_space<hbm>>
      tpu.enqueue_dma source(%dma_start3A_16 : memref<64x1024xf32, #tpu.memory_space<hbm>>) target(%arg6 : memref<64x1024xf32, #tpu.memory_space<vmem>>) target_semaphore(%run_scoped3A : memref<!tpu.dma_semaphore, #tpu.memory_space<semaphore_mem>>)
      %dma_wait3A_17 = arith.constant 0 : i32
      %dma_wait3A_18 = tpu.memref_slice %arg2[%mul3A_2, %dma_wait3A_17] : memref<2048x1024xf32, #tpu.memory_space<hbm>> -> memref<64x1024xf32, #tpu.memory_space<hbm>>
      %dma_wait3A_19 = arith.constant 0 : i32
      %dma_wait3A_20 = tpu.memref_slice %arg2[%mul3A_2, %dma_wait3A_19] : memref<2048x1024xf32, #tpu.memory_space<hbm>> -> memref<64x1024xf32, #tpu.memory_space<hbm>>
      tpu.wait_dma2 semaphore(%run_scoped3A : memref<!tpu.dma_semaphore, #tpu.memory_space<semaphore_mem>>) src(%dma_wait3A_20 : memref<64x1024xf32, #tpu.memory_space<hbm>>) dst(%arg6 : memref<64x1024xf32, #tpu.memory_space<vmem>>)
      tpu.yield
    }) : () -> ()
    "tpu.region"() ({
      %run_scoped3A = tpu.sem_alloc : memref<!tpu.dma_semaphore, #tpu.memory_space<semaphore_mem>>
      %dma_start3A_13 = tpu.memref_slice %arg3[%mul3A_2] : memref<2048xi32, #tpu.memory_space<hbm>> -> memref<64xi32, #tpu.memory_space<hbm>>
      %dma_start3A_14 = tpu.memref_slice %arg3[%mul3A_2] : memref<2048xi32, #tpu.memory_space<hbm>> -> memref<64xi32, #tpu.memory_space<hbm>>
      tpu.enqueue_dma source(%dma_start3A_14 : memref<64xi32, #tpu.memory_space<hbm>>) target(%arg7 : memref<64xi32, #tpu.memory_space<vmem>>) target_semaphore(%run_scoped3A : memref<!tpu.dma_semaphore, #tpu.memory_space<semaphore_mem>>)
      %dma_wait3A_15 = tpu.memref_slice %arg3[%mul3A_2] : memref<2048xi32, #tpu.memory_space<hbm>> -> memref<64xi32, #tpu.memory_space<hbm>>
      %dma_wait3A_16 = tpu.memref_slice %arg3[%mul3A_2] : memref<2048xi32, #tpu.memory_space<hbm>> -> memref<64xi32, #tpu.memory_space<hbm>>
      tpu.wait_dma2 semaphore(%run_scoped3A : memref<!tpu.dma_semaphore, #tpu.memory_space<semaphore_mem>>) src(%dma_wait3A_16 : memref<64xi32, #tpu.memory_space<hbm>>) dst(%arg7 : memref<64xi32, #tpu.memory_space<vmem>>)
      tpu.yield
    }) : () -> ()
    "tpu.region"() ({
      %run_scoped3A = tpu.sem_alloc : memref<!tpu.dma_semaphore, #tpu.memory_space<semaphore_mem>>
      %dma_start3A_13 = tpu.memref_slice %arg4[%mul3A_2] : memref<2048xi32, #tpu.memory_space<hbm>> -> memref<64xi32, #tpu.memory_space<hbm>>
      %dma_start3A_14 = tpu.memref_slice %arg4[%mul3A_2] : memref<2048xi32, #tpu.memory_space<hbm>> -> memref<64xi32, #tpu.memory_space<hbm>>
      tpu.enqueue_dma source(%dma_start3A_14 : memref<64xi32, #tpu.memory_space<hbm>>) target(%arg8 : memref<64xi32, #tpu.memory_space<vmem>>) target_semaphore(%run_scoped3A : memref<!tpu.dma_semaphore, #tpu.memory_space<semaphore_mem>>)
      %dma_wait3A_15 = tpu.memref_slice %arg4[%mul3A_2] : memref<2048xi32, #tpu.memory_space<hbm>> -> memref<64xi32, #tpu.memory_space<hbm>>
      %dma_wait3A_16 = tpu.memref_slice %arg4[%mul3A_2] : memref<2048xi32, #tpu.memory_space<hbm>> -> memref<64xi32, #tpu.memory_space<hbm>>
      tpu.wait_dma2 semaphore(%run_scoped3A : memref<!tpu.dma_semaphore, #tpu.memory_space<semaphore_mem>>) src(%dma_wait3A_16 : memref<64xi32, #tpu.memory_space<hbm>>) dst(%arg8 : memref<64xi32, #tpu.memory_space<vmem>>)
      tpu.yield
    }) : () -> ()
    %dma_start3A = arith.constant 0 : i32
    %dma_start3A_3 = arith.constant 0 : i32
    %dma_start3A_4 = tpu.memref_slice %arg5[%dma_start3A, %dma_start3A_3] : memref<5440x1024xf32, #tpu.memory_space<hbm>> -> memref<5440x1024xf32, #tpu.memory_space<hbm>>
    tpu.enqueue_indirect_dma source(%arg6 : memref<64x1024xf32, #tpu.memory_space<vmem>>) target(%dma_start3A_4 : memref<5440x1024xf32, #tpu.memory_space<hbm>>) offsets(%arg7 : memref<64xi32, #tpu.memory_space<vmem>>) semaphore(%arg9 : memref<!tpu.dma_semaphore, #tpu.memory_space<semaphore_mem>>)
    %dma_wait3A = arith.constant 0 : i32
    %dma_wait3A_5 = arith.constant 0 : i32
    %dma_wait3A_6 = tpu.memref_slice %arg5[%dma_wait3A, %dma_wait3A_5] : memref<5440x1024xf32, #tpu.memory_space<hbm>> -> memref<5440x1024xf32, #tpu.memory_space<hbm>>
    tpu.wait_indirect_dma semaphore(%arg9 : memref<!tpu.dma_semaphore, #tpu.memory_space<semaphore_mem>>) src(%arg6 : memref<64x1024xf32, #tpu.memory_space<vmem>>) dst(%dma_wait3A_6 : memref<5440x1024xf32, #tpu.memory_space<hbm>>)
    %dma_start3A_7 = arith.constant 0 : i32
    %dma_start3A_8 = arith.constant 0 : i32
    %dma_start3A_9 = tpu.memref_slice %arg5[%dma_start3A_7, %dma_start3A_8] : memref<5440x1024xf32, #tpu.memory_space<hbm>> -> memref<5440x1024xf32, #tpu.memory_space<hbm>>
    tpu.enqueue_indirect_dma source(%arg6 : memref<64x1024xf32, #tpu.memory_space<vmem>>) target(%dma_start3A_9 : memref<5440x1024xf32, #tpu.memory_space<hbm>>) offsets(%arg8 : memref<64xi32, #tpu.memory_space<vmem>>) semaphore(%arg9 : memref<!tpu.dma_semaphore, #tpu.memory_space<semaphore_mem>>)
    %dma_wait3A_10 = arith.constant 0 : i32
    %dma_wait3A_11 = arith.constant 0 : i32
    %dma_wait3A_12 = tpu.memref_slice %arg5[%dma_wait3A_10, %dma_wait3A_11] : memref<5440x1024xf32, #tpu.memory_space<hbm>> -> memref<5440x1024xf32, #tpu.memory_space<hbm>>
    tpu.wait_indirect_dma semaphore(%arg9 : memref<!tpu.dma_semaphore, #tpu.memory_space<semaphore_mem>>) src(%arg6 : memref<64x1024xf32, #tpu.memory_space<vmem>>) dst(%dma_wait3A_12 : memref<5440x1024xf32, #tpu.memory_space<hbm>>)
    return
  }
}

module attributes {stable_mosaic.version = 14 : i64} {
  func.func @_attn_body(%arg0: i32, %arg1: i32, %arg2: memref<256x128xf32, #tpu.memory_space<vmem>>, %arg3: memref<2048x128xf32, #tpu.memory_space<vmem>>, %arg4: memref<2048x128xf32, #tpu.memory_space<vmem>>, %arg5: memref<256x128xf32, #tpu.memory_space<vmem>>) attributes {dimension_semantics = [#tpu.dimension_semantics<arbitrary>, #tpu.dimension_semantics<arbitrary>], iteration_bounds = array<i64: 8, 8>, scalar_prefetch = 0 : i64, scratch_operands = 0 : i64, tpu.core_type = #tpu.core_type<tc>, window_params = [{transform_indices = @transform_0, window_bounds = array<i64: 256, 128>}, {transform_indices = @transform_1, window_bounds = array<i64: 2048, 128>}, {transform_indices = @transform_2, window_bounds = array<i64: 2048, 128>}, {transform_indices = @transform_3, window_bounds = array<i64: 256, 128>}]} {
    %get3A = arith.constant 0 : index
    %get3A_0 = arith.constant 0 : index
    %get3A_1 = vector.load %arg2[%get3A, %get3A_0] : memref<256x128xf32, #tpu.memory_space<vmem>>, vector<256x128xf32>
    %convert_element_type3A = arith.truncf %get3A_1 : vector<256x128xf32> to vector<256x128xbf16>
    %mul3A = arith.constant 256 : i32
    %mul3A_2 = arith.muli %arg1, %mul3A : i32
    %iota3A = tpu.iota {dimensions = array<i32: 0>} : vector<256x512xi32>
    %add3A = vector.broadcast %mul3A_2 : i32 to vector<256x512xi32>
    %add3A_3 = arith.addi %add3A, %iota3A : vector<256x512xi32>
    %iota3A_4 = tpu.iota {dimensions = array<i32: 1>} : vector<256x512xi32>
    %slice3A = vector.extract_strided_slice %convert_element_type3A {offsets = [0, 0], sizes = [256, 64], strides = [1, 1]} : vector<256x128xbf16> to vector<256x64xbf16>
    %slice3A_5 = vector.extract_strided_slice %convert_element_type3A {offsets = [0, 64], sizes = [256, 64], strides = [1, 1]} : vector<256x128xbf16> to vector<256x64xbf16>
    %broadcast_in_dim3A = arith.constant 0.000000e+00 : f32
    %broadcast_in_dim3A_6 = vector.broadcast %broadcast_in_dim3A : f32 to vector<256x1xf32>
    %broadcast_in_dim3A_7 = arith.constant 0.000000e+00 : f32
    %broadcast_in_dim3A_8 = vector.broadcast %broadcast_in_dim3A_7 : f32 to vector<256x64xf32>
    %mul3A_9 = arith.constant 256 : i32
    %mul3A_10 = arith.muli %arg1, %mul3A_9 : i32
    %jit3A = arith.constant 512 : i32
    %div3A = arith.divsi %mul3A_10, %jit3A : i32
    %sign3A = arith.constant 0 : i32
    %sign3A_11 = arith.cmpi sgt, %mul3A_10, %sign3A : i32
    %sign3A_12 = arith.extui %sign3A_11 : i1 to i32
    %sign3A_13 = arith.constant 0 : i32
    %sign3A_14 = arith.cmpi slt, %mul3A_10, %sign3A_13 : i32
    %sign3A_15 = arith.extui %sign3A_14 : i1 to i32
    %sign3A_16 = arith.subi %sign3A_12, %sign3A_15 : i32
    %sign3A_17 = arith.constant 0 : i32
    %sign3A_18 = arith.cmpi sgt, %jit3A, %sign3A_17 : i32
    %sign3A_19 = arith.extui %sign3A_18 : i1 to i32
    %sign3A_20 = arith.constant 0 : i32
    %sign3A_21 = arith.cmpi slt, %jit3A, %sign3A_20 : i32
    %sign3A_22 = arith.extui %sign3A_21 : i1 to i32
    %sign3A_23 = arith.subi %sign3A_19, %sign3A_22 : i32
    %ne3A = arith.cmpi ne, %sign3A_16, %sign3A_23 : i32
    %rem3A = arith.remsi %mul3A_10, %jit3A : i32
    %ne3A_24 = arith.constant 0 : i32
    %ne3A_25 = arith.cmpi ne, %rem3A, %ne3A_24 : i32
    %and3A = arith.andi %ne3A, %ne3A_25 : i1
    %sub3A = arith.constant 1 : i32
    %sub3A_26 = arith.subi %div3A, %sub3A : i32
    %select_n3A = arith.select %and3A, %sub3A_26, %div3A : i32
    %add3A_27 = arith.constant 1 : i32
    %add3A_28 = arith.addi %select_n3A, %add3A_27 : i32
    %sub3A_29 = arith.constant 1 : i32
    %sub3A_30 = arith.subi %add3A_28, %sub3A_29 : i32
    %while3A = arith.constant 0 : i32
    %while3A_31 = arith.subi %sub3A_30, %while3A : i32
    %while3A_32 = arith.addi %while3A, %while3A_31 : i32
    %while3A_33 = arith.constant 1 : i32
    %while3A_34 = arith.divsi %while3A_31, %while3A_33 : i32
    %while3A_35 = arith.muli %while3A_34, %while3A_33 : i32
    %while3A_36 = arith.addi %while3A, %while3A_35 : i32
    %while3A_37 = arith.constant 1 : i32
    %while3A_38:4 = scf.for %while3A_105 = %while3A to %while3A_36 step %while3A_37 iter_args(%while3A_106 = %broadcast_in_dim3A_6, %while3A_107 = %broadcast_in_dim3A_8, %while3A_108 = %broadcast_in_dim3A_6, %while3A_109 = %broadcast_in_dim3A_8) -> (vector<256x1xf32>, vector<256x64xf32>, vector<256x1xf32>, vector<256x64xf32>)  : i32 {
      %mul3A_110 = arith.constant 512 : i32
      %mul3A_111 = arith.muli %while3A_105, %mul3A_110 : i32
      %get3A_112 = arith.index_cast %mul3A_111 : i32 to index
      %get3A_113 = arith.constant 0 : index
      %get3A_114 = vector.load %arg3[%get3A_112, %get3A_113] : memref<2048x128xf32, #tpu.memory_space<vmem>>, vector<512x128xf32>
      %convert_element_type3A_115 = arith.truncf %get3A_114 : vector<512x128xf32> to vector<512x128xbf16>
      %mul3A_116 = arith.constant 512 : i32
      %mul3A_117 = arith.muli %while3A_105, %mul3A_116 : i32
      %get3A_118 = arith.index_cast %mul3A_117 : i32 to index
      %get3A_119 = arith.constant 0 : index
      %get3A_120 = vector.load %arg4[%get3A_118, %get3A_119] : memref<2048x128xf32, #tpu.memory_space<vmem>>, vector<512x128xf32>
      %convert_element_type3A_121 = arith.truncf %get3A_120 : vector<512x128xf32> to vector<512x128xbf16>
      %slice3A_122 = vector.extract_strided_slice %convert_element_type3A_115 {offsets = [0, 0], sizes = [512, 64], strides = [1, 1]} : vector<512x128xbf16> to vector<512x64xbf16>
      %slice3A_123 = vector.extract_strided_slice %convert_element_type3A_121 {offsets = [0, 0], sizes = [512, 64], strides = [1, 1]} : vector<512x128xbf16> to vector<512x64xbf16>
      %dot_general3A_124 = arith.constant dense<0.000000e+00> : vector<256x512xf32>
      %dot_general3A_125 = tpu.matmul %slice3A, %slice3A_122, %dot_general3A_124 {dimension_numbers = #tpu.dot_dimension_numbers<[1], [1], [0], [0], [0, 0, 1, 0], [], []>, transpose_lhs_hint = false} : vector<256x64xbf16>, vector<512x64xbf16>, vector<256x512xf32> -> vector<256x512xf32>
      %mul3A_126 = arith.constant 1.250000e-01 : f32
      %mul3A_127 = vector.broadcast %mul3A_126 : f32 to vector<256x512xf32>
      %mul3A_128 = arith.mulf %dot_general3A_125, %mul3A_127 : vector<256x512xf32>
      %exp3A_129 = math.exp %mul3A_128 : vector<256x512xf32>
      %reduce_sum3A_130 = arith.constant dense<0.000000e+00> : vector<256xf32>
      %reduce_sum3A_131 = vector.multi_reduction <add>, %exp3A_129, %reduce_sum3A_130 [1] : vector<256x512xf32> to vector<256xf32>
      %broadcast_in_dim3A_132 = vector.shape_cast %reduce_sum3A_131 : vector<256xf32> to vector<256x1xf32>
      %add3A_133 = arith.addf %while3A_106, %broadcast_in_dim3A_132 : vector<256x1xf32>
      %convert_element_type3A_134 = arith.truncf %exp3A_129 : vector<256x512xf32> to vector<256x512xbf16>
      %dot_general3A_135 = arith.constant dense<0.000000e+00> : vector<256x64xf32>
      %dot_general3A_136 = tpu.matmul %convert_element_type3A_134, %slice3A_123, %dot_general3A_135 {dimension_numbers = #tpu.dot_dimension_numbers<[1], [0], [0], [1], [0, 0, 1, 1], [], []>, transpose_lhs_hint = false} : vector<256x512xbf16>, vector<512x64xbf16>, vector<256x64xf32> -> vector<256x64xf32>
      %add3A_137 = arith.addf %while3A_107, %dot_general3A_136 : vector<256x64xf32>
      %slice3A_138 = vector.extract_strided_slice %convert_element_type3A_115 {offsets = [0, 64], sizes = [512, 64], strides = [1, 1]} : vector<512x128xbf16> to vector<512x64xbf16>
      %slice3A_139 = vector.extract_strided_slice %convert_element_type3A_121 {offsets = [0, 64], sizes = [512, 64], strides = [1, 1]} : vector<512x128xbf16> to vector<512x64xbf16>
      %dot_general3A_140 = arith.constant dense<0.000000e+00> : vector<256x512xf32>
      %dot_general3A_141 = tpu.matmul %slice3A_5, %slice3A_138, %dot_general3A_140 {dimension_numbers = #tpu.dot_dimension_numbers<[1], [1], [0], [0], [0, 0, 1, 0], [], []>, transpose_lhs_hint = false} : vector<256x64xbf16>, vector<512x64xbf16>, vector<256x512xf32> -> vector<256x512xf32>
      %mul3A_142 = arith.constant 1.250000e-01 : f32
      %mul3A_143 = vector.broadcast %mul3A_142 : f32 to vector<256x512xf32>
      %mul3A_144 = arith.mulf %dot_general3A_141, %mul3A_143 : vector<256x512xf32>
      %exp3A_145 = math.exp %mul3A_144 : vector<256x512xf32>
      %reduce_sum3A_146 = arith.constant dense<0.000000e+00> : vector<256xf32>
      %reduce_sum3A_147 = vector.multi_reduction <add>, %exp3A_145, %reduce_sum3A_146 [1] : vector<256x512xf32> to vector<256xf32>
      %broadcast_in_dim3A_148 = vector.shape_cast %reduce_sum3A_147 : vector<256xf32> to vector<256x1xf32>
      %add3A_149 = arith.addf %while3A_108, %broadcast_in_dim3A_148 : vector<256x1xf32>
      %convert_element_type3A_150 = arith.truncf %exp3A_145 : vector<256x512xf32> to vector<256x512xbf16>
      %dot_general3A_151 = arith.constant dense<0.000000e+00> : vector<256x64xf32>
      %dot_general3A_152 = tpu.matmul %convert_element_type3A_150, %slice3A_139, %dot_general3A_151 {dimension_numbers = #tpu.dot_dimension_numbers<[1], [0], [0], [1], [0, 0, 1, 1], [], []>, transpose_lhs_hint = false} : vector<256x512xbf16>, vector<512x64xbf16>, vector<256x64xf32> -> vector<256x64xf32>
      %add3A_153 = arith.addf %while3A_109, %dot_general3A_152 : vector<256x64xf32>
      scf.yield %add3A_133, %add3A_137, %add3A_149, %add3A_153 : vector<256x1xf32>, vector<256x64xf32>, vector<256x1xf32>, vector<256x64xf32>
    }
    %while3A_39 = arith.constant 1 : i32
    %while3A_40:4 = scf.for %while3A_105 = %while3A_36 to %while3A_32 step %while3A_39 iter_args(%while3A_106 = %while3A_38#0, %while3A_107 = %while3A_38#1, %while3A_108 = %while3A_38#2, %while3A_109 = %while3A_38#3) -> (vector<256x1xf32>, vector<256x64xf32>, vector<256x1xf32>, vector<256x64xf32>)  : i32 {
      %mul3A_110 = arith.constant 512 : i32
      %mul3A_111 = arith.muli %while3A_105, %mul3A_110 : i32
      %get3A_112 = arith.index_cast %mul3A_111 : i32 to index
      %get3A_113 = arith.constant 0 : index
      %get3A_114 = vector.load %arg3[%get3A_112, %get3A_113] : memref<2048x128xf32, #tpu.memory_space<vmem>>, vector<512x128xf32>
      %convert_element_type3A_115 = arith.truncf %get3A_114 : vector<512x128xf32> to vector<512x128xbf16>
      %mul3A_116 = arith.constant 512 : i32
      %mul3A_117 = arith.muli %while3A_105, %mul3A_116 : i32
      %get3A_118 = arith.index_cast %mul3A_117 : i32 to index
      %get3A_119 = arith.constant 0 : index
      %get3A_120 = vector.load %arg4[%get3A_118, %get3A_119] : memref<2048x128xf32, #tpu.memory_space<vmem>>, vector<512x128xf32>
      %convert_element_type3A_121 = arith.truncf %get3A_120 : vector<512x128xf32> to vector<512x128xbf16>
      %slice3A_122 = vector.extract_strided_slice %convert_element_type3A_115 {offsets = [0, 0], sizes = [512, 64], strides = [1, 1]} : vector<512x128xbf16> to vector<512x64xbf16>
      %slice3A_123 = vector.extract_strided_slice %convert_element_type3A_121 {offsets = [0, 0], sizes = [512, 64], strides = [1, 1]} : vector<512x128xbf16> to vector<512x64xbf16>
      %dot_general3A_124 = arith.constant dense<0.000000e+00> : vector<256x512xf32>
      %dot_general3A_125 = tpu.matmul %slice3A, %slice3A_122, %dot_general3A_124 {dimension_numbers = #tpu.dot_dimension_numbers<[1], [1], [0], [0], [0, 0, 1, 0], [], []>, transpose_lhs_hint = false} : vector<256x64xbf16>, vector<512x64xbf16>, vector<256x512xf32> -> vector<256x512xf32>
      %mul3A_126 = arith.constant 1.250000e-01 : f32
      %mul3A_127 = vector.broadcast %mul3A_126 : f32 to vector<256x512xf32>
      %mul3A_128 = arith.mulf %dot_general3A_125, %mul3A_127 : vector<256x512xf32>
      %exp3A_129 = math.exp %mul3A_128 : vector<256x512xf32>
      %reduce_sum3A_130 = arith.constant dense<0.000000e+00> : vector<256xf32>
      %reduce_sum3A_131 = vector.multi_reduction <add>, %exp3A_129, %reduce_sum3A_130 [1] : vector<256x512xf32> to vector<256xf32>
      %broadcast_in_dim3A_132 = vector.shape_cast %reduce_sum3A_131 : vector<256xf32> to vector<256x1xf32>
      %add3A_133 = arith.addf %while3A_106, %broadcast_in_dim3A_132 : vector<256x1xf32>
      %convert_element_type3A_134 = arith.truncf %exp3A_129 : vector<256x512xf32> to vector<256x512xbf16>
      %dot_general3A_135 = arith.constant dense<0.000000e+00> : vector<256x64xf32>
      %dot_general3A_136 = tpu.matmul %convert_element_type3A_134, %slice3A_123, %dot_general3A_135 {dimension_numbers = #tpu.dot_dimension_numbers<[1], [0], [0], [1], [0, 0, 1, 1], [], []>, transpose_lhs_hint = false} : vector<256x512xbf16>, vector<512x64xbf16>, vector<256x64xf32> -> vector<256x64xf32>
      %add3A_137 = arith.addf %while3A_107, %dot_general3A_136 : vector<256x64xf32>
      %slice3A_138 = vector.extract_strided_slice %convert_element_type3A_115 {offsets = [0, 64], sizes = [512, 64], strides = [1, 1]} : vector<512x128xbf16> to vector<512x64xbf16>
      %slice3A_139 = vector.extract_strided_slice %convert_element_type3A_121 {offsets = [0, 64], sizes = [512, 64], strides = [1, 1]} : vector<512x128xbf16> to vector<512x64xbf16>
      %dot_general3A_140 = arith.constant dense<0.000000e+00> : vector<256x512xf32>
      %dot_general3A_141 = tpu.matmul %slice3A_5, %slice3A_138, %dot_general3A_140 {dimension_numbers = #tpu.dot_dimension_numbers<[1], [1], [0], [0], [0, 0, 1, 0], [], []>, transpose_lhs_hint = false} : vector<256x64xbf16>, vector<512x64xbf16>, vector<256x512xf32> -> vector<256x512xf32>
      %mul3A_142 = arith.constant 1.250000e-01 : f32
      %mul3A_143 = vector.broadcast %mul3A_142 : f32 to vector<256x512xf32>
      %mul3A_144 = arith.mulf %dot_general3A_141, %mul3A_143 : vector<256x512xf32>
      %exp3A_145 = math.exp %mul3A_144 : vector<256x512xf32>
      %reduce_sum3A_146 = arith.constant dense<0.000000e+00> : vector<256xf32>
      %reduce_sum3A_147 = vector.multi_reduction <add>, %exp3A_145, %reduce_sum3A_146 [1] : vector<256x512xf32> to vector<256xf32>
      %broadcast_in_dim3A_148 = vector.shape_cast %reduce_sum3A_147 : vector<256xf32> to vector<256x1xf32>
      %add3A_149 = arith.addf %while3A_108, %broadcast_in_dim3A_148 : vector<256x1xf32>
      %convert_element_type3A_150 = arith.truncf %exp3A_145 : vector<256x512xf32> to vector<256x512xbf16>
      %dot_general3A_151 = arith.constant dense<0.000000e+00> : vector<256x64xf32>
      %dot_general3A_152 = tpu.matmul %convert_element_type3A_150, %slice3A_139, %dot_general3A_151 {dimension_numbers = #tpu.dot_dimension_numbers<[1], [0], [0], [1], [0, 0, 1, 1], [], []>, transpose_lhs_hint = false} : vector<256x512xbf16>, vector<512x64xbf16>, vector<256x64xf32> -> vector<256x64xf32>
      %add3A_153 = arith.addf %while3A_109, %dot_general3A_152 : vector<256x64xf32>
      scf.yield %add3A_133, %add3A_137, %add3A_149, %add3A_153 : vector<256x1xf32>, vector<256x64xf32>, vector<256x1xf32>, vector<256x64xf32>
    }
    %sub3A_41 = arith.constant 1 : i32
    %sub3A_42 = arith.subi %add3A_28, %sub3A_41 : i32
    %mul3A_43 = arith.constant 512 : i32
    %mul3A_44 = arith.muli %sub3A_42, %mul3A_43 : i32
    %get3A_45 = arith.index_cast %mul3A_44 : i32 to index
    %get3A_46 = arith.constant 0 : index
    %get3A_47 = vector.load %arg3[%get3A_45, %get3A_46] : memref<2048x128xf32, #tpu.memory_space<vmem>>, vector<512x128xf32>
    %convert_element_type3A_48 = arith.truncf %get3A_47 : vector<512x128xf32> to vector<512x128xbf16>
    %mul3A_49 = arith.constant 512 : i32
    %mul3A_50 = arith.muli %sub3A_42, %mul3A_49 : i32
    %get3A_51 = arith.index_cast %mul3A_50 : i32 to index
    %get3A_52 = arith.constant 0 : index
    %get3A_53 = vector.load %arg4[%get3A_51, %get3A_52] : memref<2048x128xf32, #tpu.memory_space<vmem>>, vector<512x128xf32>
    %convert_element_type3A_54 = arith.truncf %get3A_53 : vector<512x128xf32> to vector<512x128xbf16>
    %slice3A_55 = vector.extract_strided_slice %convert_element_type3A_48 {offsets = [0, 0], sizes = [512, 64], strides = [1, 1]} : vector<512x128xbf16> to vector<512x64xbf16>
    %slice3A_56 = vector.extract_strided_slice %convert_element_type3A_54 {offsets = [0, 0], sizes = [512, 64], strides = [1, 1]} : vector<512x128xbf16> to vector<512x64xbf16>
    %dot_general3A = arith.constant dense<0.000000e+00> : vector<256x512xf32>
    %dot_general3A_57 = tpu.matmul %slice3A, %slice3A_55, %dot_general3A {dimension_numbers = #tpu.dot_dimension_numbers<[1], [1], [0], [0], [0, 0, 1, 0], [], []>, transpose_lhs_hint = false} : vector<256x64xbf16>, vector<512x64xbf16>, vector<256x512xf32> -> vector<256x512xf32>
    %mul3A_58 = arith.constant 1.250000e-01 : f32
    %mul3A_59 = vector.broadcast %mul3A_58 : f32 to vector<256x512xf32>
    %mul3A_60 = arith.mulf %dot_general3A_57, %mul3A_59 : vector<256x512xf32>
    %mul3A_61 = arith.constant 512 : i32
    %mul3A_62 = arith.muli %sub3A_42, %mul3A_61 : i32
    %add3A_63 = vector.broadcast %mul3A_62 : i32 to vector<256x512xi32>
    %add3A_64 = arith.addi %add3A_63, %iota3A_4 : vector<256x512xi32>
    %le3A = arith.cmpi sle, %add3A_64, %add3A_3 : vector<256x512xi32>
    %jit3A_65 = arith.constant -1.000000e+09 : f32
    %broadcast_in_dim3A_66 = vector.broadcast %jit3A_65 : f32 to vector<256x512xf32>
    %select_n3A_67 = arith.select %le3A, %mul3A_60, %broadcast_in_dim3A_66 : vector<256x512xi1>, vector<256x512xf32>
    %exp3A = math.exp %select_n3A_67 : vector<256x512xf32>
    %reduce_sum3A = arith.constant dense<0.000000e+00> : vector<256xf32>
    %reduce_sum3A_68 = vector.multi_reduction <add>, %exp3A, %reduce_sum3A [1] : vector<256x512xf32> to vector<256xf32>
    %broadcast_in_dim3A_69 = vector.shape_cast %reduce_sum3A_68 : vector<256xf32> to vector<256x1xf32>
    %add3A_70 = arith.addf %while3A_40#0, %broadcast_in_dim3A_69 : vector<256x1xf32>
    %convert_element_type3A_71 = arith.truncf %exp3A : vector<256x512xf32> to vector<256x512xbf16>
    %dot_general3A_72 = arith.constant dense<0.000000e+00> : vector<256x64xf32>
    %dot_general3A_73 = tpu.matmul %convert_element_type3A_71, %slice3A_56, %dot_general3A_72 {dimension_numbers = #tpu.dot_dimension_numbers<[1], [0], [0], [1], [0, 0, 1, 1], [], []>, transpose_lhs_hint = false} : vector<256x512xbf16>, vector<512x64xbf16>, vector<256x64xf32> -> vector<256x64xf32>
    %add3A_74 = arith.addf %while3A_40#1, %dot_general3A_73 : vector<256x64xf32>
    %slice3A_75 = vector.extract_strided_slice %convert_element_type3A_48 {offsets = [0, 64], sizes = [512, 64], strides = [1, 1]} : vector<512x128xbf16> to vector<512x64xbf16>
    %slice3A_76 = vector.extract_strided_slice %convert_element_type3A_54 {offsets = [0, 64], sizes = [512, 64], strides = [1, 1]} : vector<512x128xbf16> to vector<512x64xbf16>
    %dot_general3A_77 = arith.constant dense<0.000000e+00> : vector<256x512xf32>
    %dot_general3A_78 = tpu.matmul %slice3A_5, %slice3A_75, %dot_general3A_77 {dimension_numbers = #tpu.dot_dimension_numbers<[1], [1], [0], [0], [0, 0, 1, 0], [], []>, transpose_lhs_hint = false} : vector<256x64xbf16>, vector<512x64xbf16>, vector<256x512xf32> -> vector<256x512xf32>
    %mul3A_79 = arith.constant 1.250000e-01 : f32
    %mul3A_80 = vector.broadcast %mul3A_79 : f32 to vector<256x512xf32>
    %mul3A_81 = arith.mulf %dot_general3A_78, %mul3A_80 : vector<256x512xf32>
    %mul3A_82 = arith.constant 512 : i32
    %mul3A_83 = arith.muli %sub3A_42, %mul3A_82 : i32
    %add3A_84 = vector.broadcast %mul3A_83 : i32 to vector<256x512xi32>
    %add3A_85 = arith.addi %add3A_84, %iota3A_4 : vector<256x512xi32>
    %le3A_86 = arith.cmpi sle, %add3A_85, %add3A_3 : vector<256x512xi32>
    %jit3A_87 = arith.constant -1.000000e+09 : f32
    %broadcast_in_dim3A_88 = vector.broadcast %jit3A_87 : f32 to vector<256x512xf32>
    %select_n3A_89 = arith.select %le3A_86, %mul3A_81, %broadcast_in_dim3A_88 : vector<256x512xi1>, vector<256x512xf32>
    %exp3A_90 = math.exp %select_n3A_89 : vector<256x512xf32>
    %reduce_sum3A_91 = arith.constant dense<0.000000e+00> : vector<256xf32>
    %reduce_sum3A_92 = vector.multi_reduction <add>, %exp3A_90, %reduce_sum3A_91 [1] : vector<256x512xf32> to vector<256xf32>
    %broadcast_in_dim3A_93 = vector.shape_cast %reduce_sum3A_92 : vector<256xf32> to vector<256x1xf32>
    %add3A_94 = arith.addf %while3A_40#2, %broadcast_in_dim3A_93 : vector<256x1xf32>
    %convert_element_type3A_95 = arith.truncf %exp3A_90 : vector<256x512xf32> to vector<256x512xbf16>
    %dot_general3A_96 = arith.constant dense<0.000000e+00> : vector<256x64xf32>
    %dot_general3A_97 = tpu.matmul %convert_element_type3A_95, %slice3A_76, %dot_general3A_96 {dimension_numbers = #tpu.dot_dimension_numbers<[1], [0], [0], [1], [0, 0, 1, 1], [], []>, transpose_lhs_hint = false} : vector<256x512xbf16>, vector<512x64xbf16>, vector<256x64xf32> -> vector<256x64xf32>
    %add3A_98 = arith.addf %while3A_40#3, %dot_general3A_97 : vector<256x64xf32>
    %div3A_99 = vector.broadcast %add3A_70 : vector<256x1xf32> to vector<256x64xf32>
    %div3A_100 = arith.divf %add3A_74, %div3A_99 : vector<256x64xf32>
    %div3A_101 = vector.broadcast %add3A_94 : vector<256x1xf32> to vector<256x64xf32>
    %div3A_102 = arith.divf %add3A_98, %div3A_101 : vector<256x64xf32>
    %concatenate3A = tpu.concatenate %div3A_100, %div3A_102 in 1 : vector<256x64xf32>, vector<256x64xf32> -> vector<256x128xf32>
    %swap3A = arith.constant 0 : index
    %swap3A_103 = arith.constant 0 : index
    %swap3A_104 = vector.load %arg5[%swap3A, %swap3A_103] : memref<256x128xf32, #tpu.memory_space<vmem>>, vector<256x128xf32>
    tpu.vector_store %arg5[%swap3A, %swap3A_103], %concatenate3A {strides = array<i32>} : memref<256x128xf32, #tpu.memory_space<vmem>>, vector<256x128xf32>,
    return
  }
  func.func @transform_0(%arg0: i32, %arg1: i32) -> (i32, i32) {
    %c0_i32 = arith.constant 0 : i32
    return %arg1, %arg0 : i32, i32
  }
  func.func @transform_1(%arg0: i32, %arg1: i32) -> (i32, i32) {
    %add3A = arith.constant 8 : i32
    %add3A_0 = arith.addi %add3A, %arg0 : i32
    %c0_i32 = arith.constant 0 : i32
    %c0_i32_1 = arith.constant 0 : i32
    return %c0_i32, %add3A_0 : i32, i32
  }
  func.func @transform_2(%arg0: i32, %arg1: i32) -> (i32, i32) {
    %add3A = arith.constant 16 : i32
    %add3A_0 = arith.addi %add3A, %arg0 : i32
    %c0_i32 = arith.constant 0 : i32
    %c0_i32_1 = arith.constant 0 : i32
    return %c0_i32, %add3A_0 : i32, i32
  }
  func.func @transform_3(%arg0: i32, %arg1: i32) -> (i32, i32) {
    %c0_i32 = arith.constant 0 : i32
    return %arg1, %arg0 : i32, i32
  }
}

module attributes {stable_mosaic.version = 14 : i64} {
  func.func @_ln_qkv_body(%arg0: i32, %arg1: memref<256x1024xf32, #tpu.memory_space<vmem>>, %arg2: memref<1x1024xf32, #tpu.memory_space<vmem>>, %arg3: memref<1x1024xf32, #tpu.memory_space<vmem>>, %arg4: memref<3072x1024xf32, #tpu.memory_space<vmem>>, %arg5: memref<1x3072xf32, #tpu.memory_space<vmem>>, %arg6: memref<256x3072xf32, #tpu.memory_space<vmem>>) attributes {dimension_semantics = [#tpu.dimension_semantics<arbitrary>], iteration_bounds = array<i64: 8>, scalar_prefetch = 0 : i64, scratch_operands = 0 : i64, tpu.core_type = #tpu.core_type<tc>, window_params = [{transform_indices = @transform_0, window_bounds = array<i64: 256, 1024>}, {pipeline_mode = #tpu.pipeline_mode<synchronous>, transform_indices = @transform_1, window_bounds = array<i64: 1, 1024>}, {pipeline_mode = #tpu.pipeline_mode<synchronous>, transform_indices = @transform_2, window_bounds = array<i64: 1, 1024>}, {pipeline_mode = #tpu.pipeline_mode<synchronous>, transform_indices = @transform_3, window_bounds = array<i64: 3072, 1024>}, {pipeline_mode = #tpu.pipeline_mode<synchronous>, transform_indices = @transform_4, window_bounds = array<i64: 1, 3072>}, {transform_indices = @transform_5, window_bounds = array<i64: 256, 3072>}]} {
    %get3A = arith.constant 0 : index
    %get3A_0 = arith.constant 0 : index
    %get3A_1 = vector.load %arg1[%get3A, %get3A_0] : memref<256x1024xf32, #tpu.memory_space<vmem>>, vector<256x1024xf32>
    %reduce_sum3A = arith.constant dense<0.000000e+00> : vector<256xf32>
    %reduce_sum3A_2 = vector.multi_reduction <add>, %get3A_1, %reduce_sum3A [1] : vector<256x1024xf32> to vector<256xf32>
    %broadcast_in_dim3A = vector.shape_cast %reduce_sum3A_2 : vector<256xf32> to vector<256x1xf32>
    %div3A = arith.constant 1.024000e+03 : f32
    %div3A_3 = vector.broadcast %div3A : f32 to vector<256x1xf32>
    %div3A_4 = arith.divf %broadcast_in_dim3A, %div3A_3 : vector<256x1xf32>
    %sub3A = vector.broadcast %div3A_4 : vector<256x1xf32> to vector<256x1024xf32>
    %sub3A_5 = arith.subf %get3A_1, %sub3A : vector<256x1024xf32>
    %integer_pow3A = arith.mulf %sub3A_5, %sub3A_5 : vector<256x1024xf32>
    %reduce_sum3A_6 = arith.constant dense<0.000000e+00> : vector<256xf32>
    %reduce_sum3A_7 = vector.multi_reduction <add>, %integer_pow3A, %reduce_sum3A_6 [1] : vector<256x1024xf32> to vector<256xf32>
    %broadcast_in_dim3A_8 = vector.shape_cast %reduce_sum3A_7 : vector<256xf32> to vector<256x1xf32>
    %div3A_9 = arith.constant 1.024000e+03 : f32
    %div3A_10 = vector.broadcast %div3A_9 : f32 to vector<256x1xf32>
    %div3A_11 = arith.divf %broadcast_in_dim3A_8, %div3A_10 : vector<256x1xf32>
    %sub3A_12 = vector.broadcast %div3A_4 : vector<256x1xf32> to vector<256x1024xf32>
    %sub3A_13 = arith.subf %get3A_1, %sub3A_12 : vector<256x1024xf32>
    %add3A = arith.constant 9.99999974E-6 : f32
    %add3A_14 = vector.broadcast %add3A : f32 to vector<256x1xf32>
    %add3A_15 = arith.addf %div3A_11, %add3A_14 : vector<256x1xf32>
    %sqrt3A = math.sqrt %add3A_15 : vector<256x1xf32>
    %div3A_16 = vector.broadcast %sqrt3A : vector<256x1xf32> to vector<256x1024xf32>
    %div3A_17 = arith.divf %sub3A_13, %div3A_16 : vector<256x1024xf32>
    %get3A_18 = arith.constant 0 : index
    %get3A_19 = arith.constant 0 : index
    %get3A_20 = vector.load %arg2[%get3A_18, %get3A_19] : memref<1x1024xf32, #tpu.memory_space<vmem>>, vector<1x1024xf32>
    %mul3A = vector.broadcast %get3A_20 : vector<1x1024xf32> to vector<256x1024xf32>
    %mul3A_21 = arith.mulf %div3A_17, %mul3A : vector<256x1024xf32>
    %get3A_22 = arith.constant 0 : index
    %get3A_23 = arith.constant 0 : index
    %get3A_24 = vector.load %arg3[%get3A_22, %get3A_23] : memref<1x1024xf32, #tpu.memory_space<vmem>>, vector<1x1024xf32>
    %add3A_25 = vector.broadcast %get3A_24 : vector<1x1024xf32> to vector<256x1024xf32>
    %add3A_26 = arith.addf %mul3A_21, %add3A_25 : vector<256x1024xf32>
    %convert_element_type3A = arith.truncf %add3A_26 : vector<256x1024xf32> to vector<256x1024xbf16>
    %get3A_27 = arith.constant 0 : index
    %get3A_28 = arith.constant 0 : index
    %get3A_29 = vector.load %arg4[%get3A_27, %get3A_28] : memref<3072x1024xf32, #tpu.memory_space<vmem>>, vector<3072x1024xf32>
    %convert_element_type3A_30 = arith.truncf %get3A_29 : vector<3072x1024xf32> to vector<3072x1024xbf16>
    %dot_general3A = arith.constant dense<0.000000e+00> : vector<256x3072xf32>
    %dot_general3A_31 = tpu.matmul %convert_element_type3A, %convert_element_type3A_30, %dot_general3A {dimension_numbers = #tpu.dot_dimension_numbers<[1], [1], [0], [0], [0, 0, 1, 0], [], []>, transpose_lhs_hint = false} : vector<256x1024xbf16>, vector<3072x1024xbf16>, vector<256x3072xf32> -> vector<256x3072xf32>
    %get3A_32 = arith.constant 0 : index
    %get3A_33 = arith.constant 0 : index
    %get3A_34 = vector.load %arg5[%get3A_32, %get3A_33] : memref<1x3072xf32, #tpu.memory_space<vmem>>, vector<1x3072xf32>
    %add3A_35 = vector.broadcast %get3A_34 : vector<1x3072xf32> to vector<256x3072xf32>
    %add3A_36 = arith.addf %dot_general3A_31, %add3A_35 : vector<256x3072xf32>
    %swap3A = arith.constant 0 : index
    %swap3A_37 = arith.constant 0 : index
    %swap3A_38 = vector.load %arg6[%swap3A, %swap3A_37] : memref<256x3072xf32, #tpu.memory_space<vmem>>, vector<256x3072xf32>
    tpu.vector_store %arg6[%swap3A, %swap3A_37], %add3A_36 {strides = array<i32>} : memref<256x3072xf32, #tpu.memory_space<vmem>>, vector<256x3072xf32>,
    return
  }
  func.func @transform_0(%arg0: i32) -> (i32, i32) {
    %c0_i32 = arith.constant 0 : i32
    %c0_i32_0 = arith.constant 0 : i32
    return %arg0, %c0_i32 : i32, i32
  }
  func.func @transform_1(%arg0: i32) -> (i32, i32) {
    %c0_i32 = arith.constant 0 : i32
    %c0_i32_0 = arith.constant 0 : i32
    %c0_i32_1 = arith.constant 0 : i32
    return %c0_i32, %c0_i32_0 : i32, i32
  }
  func.func @transform_2(%arg0: i32) -> (i32, i32) {
    %c0_i32 = arith.constant 0 : i32
    %c0_i32_0 = arith.constant 0 : i32
    %c0_i32_1 = arith.constant 0 : i32
    return %c0_i32, %c0_i32_0 : i32, i32
  }
  func.func @transform_3(%arg0: i32) -> (i32, i32) {
    %c0_i32 = arith.constant 0 : i32
    %c0_i32_0 = arith.constant 0 : i32
    %c0_i32_1 = arith.constant 0 : i32
    return %c0_i32, %c0_i32_0 : i32, i32
  }
  func.func @transform_4(%arg0: i32) -> (i32, i32) {
    %c0_i32 = arith.constant 0 : i32
    %c0_i32_0 = arith.constant 0 : i32
    %c0_i32_1 = arith.constant 0 : i32
    return %c0_i32, %c0_i32_0 : i32, i32
  }
  func.func @transform_5(%arg0: i32) -> (i32, i32) {
    %c0_i32 = arith.constant 0 : i32
    %c0_i32_0 = arith.constant 0 : i32
    return %arg0, %c0_i32 : i32, i32
  }
}

module attributes {stable_mosaic.version = 14 : i64} {
  func.func @_oproj_route_body(%arg0: i32, %arg1: memref<256x1024xf32, #tpu.memory_space<vmem>>, %arg2: memref<1024x1024xf32, #tpu.memory_space<vmem>>, %arg3: memref<1x1024xf32, #tpu.memory_space<vmem>>, %arg4: memref<256x1024xf32, #tpu.memory_space<vmem>>, %arg5: memref<1x1024xf32, #tpu.memory_space<vmem>>, %arg6: memref<1x1024xf32, #tpu.memory_space<vmem>>, %arg7: memref<1024x128xf32, #tpu.memory_space<vmem>>, %arg8: memref<256x1024xf32, #tpu.memory_space<vmem>>, %arg9: memref<256x1024xf32, #tpu.memory_space<vmem>>, %arg10: memref<256x128xi32, #tpu.memory_space<vmem>>, %arg11: memref<256x128xf32, #tpu.memory_space<vmem>>, %arg12: memref<8x128xi32, #tpu.memory_space<vmem>>, %arg13: memref<8x128xf32, #tpu.memory_space<vmem>>) attributes {dimension_semantics = [#tpu.dimension_semantics<arbitrary>], iteration_bounds = array<i64: 8>, scalar_prefetch = 0 : i64, scratch_operands = 1 : i64, tpu.core_type = #tpu.core_type<tc>, window_params = [{transform_indices = @transform_0, window_bounds = array<i64: 256, 1024>}, {pipeline_mode = #tpu.pipeline_mode<synchronous>, transform_indices = @transform_1, window_bounds = array<i64: 1024, 1024>}, {pipeline_mode = #tpu.pipeline_mode<synchronous>, transform_indices = @transform_2, window_bounds = array<i64: 1, 1024>}, {transform_indices = @transform_3, window_bounds = array<i64: 256, 1024>}, {pipeline_mode = #tpu.pipeline_mode<synchronous>, transform_indices = @transform_4, window_bounds = array<i64: 1, 1024>}, {pipeline_mode = #tpu.pipeline_mode<synchronous>, transform_indices = @transform_5, window_bounds = array<i64: 1, 1024>}, {pipeline_mode = #tpu.pipeline_mode<synchronous>, transform_indices = @transform_6, window_bounds = array<i64: 1024, 128>}, {transform_indices = @transform_7, window_bounds = array<i64: 256, 1024>}, {transform_indices = @transform_8, window_bounds = array<i64: 256, 1024>}, {transform_indices = @transform_9, window_bounds = array<i64: 256, 128>}, {transform_indices = @transform_10, window_bounds = array<i64: 256, 128>}, {pipeline_mode = #tpu.pipeline_mode<synchronous>, transform_indices = @transform_11, window_bounds = array<i64: 8, 128>}]} {
    %eq3A = arith.constant 0 : i32
    %eq3A_0 = arith.cmpi eq, %arg0, %eq3A : i32
    %convert_element_type3A = arith.extui %eq3A_0 : i1 to i32
    %cond3A = arith.constant 0 : i32
    %cond3A_1 = arith.cmpi ne, %convert_element_type3A, %cond3A : i32
    scf.if %cond3A_1 {
      %broadcast_in_dim3A_218 = arith.constant 0.000000e+00 : f32
      %broadcast_in_dim3A_219 = vector.broadcast %broadcast_in_dim3A_218 : f32 to vector<8x128xf32>
      %swap3A_220 = arith.constant 0 : index
      %swap3A_221 = arith.constant 0 : index
      %swap3A_222 = vector.load %arg13[%swap3A_220, %swap3A_221] : memref<8x128xf32, #tpu.memory_space<vmem>>, vector<8x128xf32>
      tpu.vector_store %arg13[%swap3A_220, %swap3A_221], %broadcast_in_dim3A_219 {strides = array<i32>} : memref<8x128xf32, #tpu.memory_space<vmem>>, vector<8x128xf32>,
    } else {
    }
    %get3A = arith.constant 0 : index
    %get3A_2 = arith.constant 0 : index
    %get3A_3 = vector.load %arg4[%get3A, %get3A_2] : memref<256x1024xf32, #tpu.memory_space<vmem>>, vector<256x1024xf32>
    %get3A_4 = arith.constant 0 : index
    %get3A_5 = arith.constant 0 : index
    %get3A_6 = vector.load %arg1[%get3A_4, %get3A_5] : memref<256x1024xf32, #tpu.memory_space<vmem>>, vector<256x1024xf32>
    %convert_element_type3A_7 = arith.truncf %get3A_6 : vector<256x1024xf32> to vector<256x1024xbf16>
    %get3A_8 = arith.constant 0 : index
    %get3A_9 = arith.constant 0 : index
    %get3A_10 = vector.load %arg2[%get3A_8, %get3A_9] : memref<1024x1024xf32, #tpu.memory_space<vmem>>, vector<1024x1024xf32>
    %convert_element_type3A_11 = arith.truncf %get3A_10 : vector<1024x1024xf32> to vector<1024x1024xbf16>
    %dot_general3A = arith.constant dense<0.000000e+00> : vector<256x1024xf32>
    %dot_general3A_12 = tpu.matmul %convert_element_type3A_7, %convert_element_type3A_11, %dot_general3A {dimension_numbers = #tpu.dot_dimension_numbers<[1], [0], [0], [1], [0, 0, 1, 1], [], []>, transpose_lhs_hint = false} : vector<256x1024xbf16>, vector<1024x1024xbf16>, vector<256x1024xf32> -> vector<256x1024xf32>
    %add3A = arith.addf %get3A_3, %dot_general3A_12 : vector<256x1024xf32>
    %get3A_13 = arith.constant 0 : index
    %get3A_14 = arith.constant 0 : index
    %get3A_15 = vector.load %arg3[%get3A_13, %get3A_14] : memref<1x1024xf32, #tpu.memory_space<vmem>>, vector<1x1024xf32>
    %add3A_16 = vector.broadcast %get3A_15 : vector<1x1024xf32> to vector<256x1024xf32>
    %add3A_17 = arith.addf %add3A, %add3A_16 : vector<256x1024xf32>
    %swap3A = arith.constant 0 : index
    %swap3A_18 = arith.constant 0 : index
    %swap3A_19 = vector.load %arg8[%swap3A, %swap3A_18] : memref<256x1024xf32, #tpu.memory_space<vmem>>, vector<256x1024xf32>
    tpu.vector_store %arg8[%swap3A, %swap3A_18], %add3A_17 {strides = array<i32>} : memref<256x1024xf32, #tpu.memory_space<vmem>>, vector<256x1024xf32>,
    %reduce_sum3A = arith.constant dense<0.000000e+00> : vector<256xf32>
    %reduce_sum3A_20 = vector.multi_reduction <add>, %add3A_17, %reduce_sum3A [1] : vector<256x1024xf32> to vector<256xf32>
    %broadcast_in_dim3A = vector.shape_cast %reduce_sum3A_20 : vector<256xf32> to vector<256x1xf32>
    %div3A = arith.constant 1.024000e+03 : f32
    %div3A_21 = vector.broadcast %div3A : f32 to vector<256x1xf32>
    %div3A_22 = arith.divf %broadcast_in_dim3A, %div3A_21 : vector<256x1xf32>
    %sub3A = vector.broadcast %div3A_22 : vector<256x1xf32> to vector<256x1024xf32>
    %sub3A_23 = arith.subf %add3A_17, %sub3A : vector<256x1024xf32>
    %integer_pow3A = arith.mulf %sub3A_23, %sub3A_23 : vector<256x1024xf32>
    %reduce_sum3A_24 = arith.constant dense<0.000000e+00> : vector<256xf32>
    %reduce_sum3A_25 = vector.multi_reduction <add>, %integer_pow3A, %reduce_sum3A_24 [1] : vector<256x1024xf32> to vector<256xf32>
    %broadcast_in_dim3A_26 = vector.shape_cast %reduce_sum3A_25 : vector<256xf32> to vector<256x1xf32>
    %div3A_27 = arith.constant 1.024000e+03 : f32
    %div3A_28 = vector.broadcast %div3A_27 : f32 to vector<256x1xf32>
    %div3A_29 = arith.divf %broadcast_in_dim3A_26, %div3A_28 : vector<256x1xf32>
    %sub3A_30 = vector.broadcast %div3A_22 : vector<256x1xf32> to vector<256x1024xf32>
    %sub3A_31 = arith.subf %add3A_17, %sub3A_30 : vector<256x1024xf32>
    %add3A_32 = arith.constant 9.99999974E-6 : f32
    %add3A_33 = vector.broadcast %add3A_32 : f32 to vector<256x1xf32>
    %add3A_34 = arith.addf %div3A_29, %add3A_33 : vector<256x1xf32>
    %sqrt3A = math.sqrt %add3A_34 : vector<256x1xf32>
    %div3A_35 = vector.broadcast %sqrt3A : vector<256x1xf32> to vector<256x1024xf32>
    %div3A_36 = arith.divf %sub3A_31, %div3A_35 : vector<256x1024xf32>
    %get3A_37 = arith.constant 0 : index
    %get3A_38 = arith.constant 0 : index
    %get3A_39 = vector.load %arg5[%get3A_37, %get3A_38] : memref<1x1024xf32, #tpu.memory_space<vmem>>, vector<1x1024xf32>
    %mul3A = vector.broadcast %get3A_39 : vector<1x1024xf32> to vector<256x1024xf32>
    %mul3A_40 = arith.mulf %div3A_36, %mul3A : vector<256x1024xf32>
    %get3A_41 = arith.constant 0 : index
    %get3A_42 = arith.constant 0 : index
    %get3A_43 = vector.load %arg6[%get3A_41, %get3A_42] : memref<1x1024xf32, #tpu.memory_space<vmem>>, vector<1x1024xf32>
    %add3A_44 = vector.broadcast %get3A_43 : vector<1x1024xf32> to vector<256x1024xf32>
    %add3A_45 = arith.addf %mul3A_40, %add3A_44 : vector<256x1024xf32>
    %swap3A_46 = arith.constant 0 : index
    %swap3A_47 = arith.constant 0 : index
    %swap3A_48 = vector.load %arg9[%swap3A_46, %swap3A_47] : memref<256x1024xf32, #tpu.memory_space<vmem>>, vector<256x1024xf32>
    tpu.vector_store %arg9[%swap3A_46, %swap3A_47], %add3A_45 {strides = array<i32>} : memref<256x1024xf32, #tpu.memory_space<vmem>>, vector<256x1024xf32>,
    %get3A_49 = arith.constant 0 : index
    %get3A_50 = arith.constant 0 : index
    %get3A_51 = vector.load %arg7[%get3A_49, %get3A_50] : memref<1024x128xf32, #tpu.memory_space<vmem>>, vector<1024x128xf32>
    %dot_general3A_52 = arith.constant dense<0.000000e+00> : vector<256x128xf32>
    %dot_general3A_53 = tpu.matmul %add3A_45, %get3A_51, %dot_general3A_52 {dimension_numbers = #tpu.dot_dimension_numbers<[1], [0], [0], [1], [0, 0, 1, 1], [], []>, transpose_lhs_hint = false} : vector<256x1024xf32>, vector<1024x128xf32>, vector<256x128xf32> -> vector<256x128xf32>
    %iota3A = tpu.iota {dimensions = array<i32: 1>} : vector<256x128xi32>
    %lt3A = arith.constant 16 : i32
    %lt3A_54 = vector.broadcast %lt3A : i32 to vector<256x128xi32>
    %lt3A_55 = arith.cmpi slt, %iota3A, %lt3A_54 : vector<256x128xi32>
    %jit3A = arith.constant -1.000000e+09 : f32
    %broadcast_in_dim3A_56 = vector.broadcast %jit3A : f32 to vector<256x128xf32>
    %select_n3A = arith.select %lt3A_55, %dot_general3A_53, %broadcast_in_dim3A_56 : vector<256x128xi1>, vector<256x128xf32>
    %reduce_max3A = arith.constant dense<0xFF800000> : vector<256xf32>
    %reduce_max3A_57 = vector.multi_reduction <maximumf>, %select_n3A, %reduce_max3A [1] : vector<256x128xf32> to vector<256xf32>
    %broadcast_in_dim3A_58 = vector.shape_cast %reduce_max3A_57 : vector<256xf32> to vector<256x1xf32>
    %sub3A_59 = vector.broadcast %broadcast_in_dim3A_58 : vector<256x1xf32> to vector<256x128xf32>
    %sub3A_60 = arith.subf %select_n3A, %sub3A_59 : vector<256x128xf32>
    %exp3A = math.exp %sub3A_60 : vector<256x128xf32>
    %reduce_sum3A_61 = arith.constant dense<0.000000e+00> : vector<256xf32>
    %reduce_sum3A_62 = vector.multi_reduction <add>, %exp3A, %reduce_sum3A_61 [1] : vector<256x128xf32> to vector<256xf32>
    %broadcast_in_dim3A_63 = vector.shape_cast %reduce_sum3A_62 : vector<256xf32> to vector<256x1xf32>
    %div3A_64 = vector.broadcast %broadcast_in_dim3A_63 : vector<256x1xf32> to vector<256x128xf32>
    %div3A_65 = arith.divf %exp3A, %div3A_64 : vector<256x128xf32>
    %reduce_max3A_66 = arith.constant dense<0xFF800000> : vector<256xf32>
    %reduce_max3A_67 = vector.multi_reduction <maximumf>, %div3A_65, %reduce_max3A_66 [1] : vector<256x128xf32> to vector<256xf32>
    %broadcast_in_dim3A_68 = vector.shape_cast %reduce_max3A_67 : vector<256xf32> to vector<256x1xf32>
    %eq3A_69 = vector.broadcast %broadcast_in_dim3A_68 : vector<256x1xf32> to vector<256x128xf32>
    %eq3A_70 = arith.cmpf oeq, %div3A_65, %eq3A_69 : vector<256x128xf32>
    %jit3A_71 = arith.constant 128 : i32
    %broadcast_in_dim3A_72 = vector.broadcast %jit3A_71 : i32 to vector<256x128xi32>
    %select_n3A_73 = arith.select %eq3A_70, %iota3A, %broadcast_in_dim3A_72 : vector<256x128xi1>, vector<256x128xi32>
    %reduce_min3A = arith.constant dense<2147483647> : vector<256xi32>
    %reduce_min3A_74 = vector.multi_reduction <minsi>, %select_n3A_73, %reduce_min3A [1] : vector<256x128xi32> to vector<256xi32>
    %broadcast_in_dim3A_75 = vector.shape_cast %reduce_min3A_74 : vector<256xi32> to vector<256x1xi32>
    %eq3A_76 = vector.broadcast %broadcast_in_dim3A_75 : vector<256x1xi32> to vector<256x128xi32>
    %eq3A_77 = arith.cmpi eq, %iota3A, %eq3A_76 : vector<256x128xi32>
    %jit3A_78 = arith.constant -1.000000e+00 : f32
    %broadcast_in_dim3A_79 = vector.broadcast %jit3A_78 : f32 to vector<256x128xf32>
    %select_n3A_80 = arith.select %eq3A_77, %broadcast_in_dim3A_79, %div3A_65 : vector<256x128xi1>, vector<256x128xf32>
    %reduce_max3A_81 = arith.constant dense<0xFF800000> : vector<256xf32>
    %reduce_max3A_82 = vector.multi_reduction <maximumf>, %select_n3A_80, %reduce_max3A_81 [1] : vector<256x128xf32> to vector<256xf32>
    %broadcast_in_dim3A_83 = vector.shape_cast %reduce_max3A_82 : vector<256xf32> to vector<256x1xf32>
    %eq3A_84 = vector.broadcast %broadcast_in_dim3A_83 : vector<256x1xf32> to vector<256x128xf32>
    %eq3A_85 = arith.cmpf oeq, %select_n3A_80, %eq3A_84 : vector<256x128xf32>
    %jit3A_86 = arith.constant 128 : i32
    %broadcast_in_dim3A_87 = vector.broadcast %jit3A_86 : i32 to vector<256x128xi32>
    %select_n3A_88 = arith.select %eq3A_85, %iota3A, %broadcast_in_dim3A_87 : vector<256x128xi1>, vector<256x128xi32>
    %reduce_min3A_89 = arith.constant dense<2147483647> : vector<256xi32>
    %reduce_min3A_90 = vector.multi_reduction <minsi>, %select_n3A_88, %reduce_min3A_89 [1] : vector<256x128xi32> to vector<256xi32>
    %broadcast_in_dim3A_91 = vector.shape_cast %reduce_min3A_90 : vector<256xi32> to vector<256x1xi32>
    %add3A_92 = arith.addf %broadcast_in_dim3A_68, %broadcast_in_dim3A_83 : vector<256x1xf32>
    %add3A_93 = arith.constant 9.99999971E-10 : f32
    %add3A_94 = vector.broadcast %add3A_93 : f32 to vector<256x1xf32>
    %add3A_95 = arith.addf %add3A_92, %add3A_94 : vector<256x1xf32>
    %div3A_96 = arith.divf %broadcast_in_dim3A_68, %add3A_95 : vector<256x1xf32>
    %div3A_97 = arith.divf %broadcast_in_dim3A_83, %add3A_95 : vector<256x1xf32>
    %eq3A_98 = vector.broadcast %broadcast_in_dim3A_75 : vector<256x1xi32> to vector<256x128xi32>
    %eq3A_99 = arith.cmpi eq, %iota3A, %eq3A_98 : vector<256x128xi32>
    %convert_element_type3A_100 = arith.extui %eq3A_99 : vector<256x128xi1> to vector<256x128xi32>
    %convert_element_type3A_101 = arith.sitofp %convert_element_type3A_100 : vector<256x128xi32> to vector<256x128xf32>
    %eq3A_102 = vector.broadcast %broadcast_in_dim3A_91 : vector<256x1xi32> to vector<256x128xi32>
    %eq3A_103 = arith.cmpi eq, %iota3A, %eq3A_102 : vector<256x128xi32>
    %convert_element_type3A_104 = arith.extui %eq3A_103 : vector<256x128xi1> to vector<256x128xi32>
    %convert_element_type3A_105 = arith.sitofp %convert_element_type3A_104 : vector<256x128xi32> to vector<256x128xf32>
    %add3A_106 = arith.addf %convert_element_type3A_101, %convert_element_type3A_105 : vector<256x128xf32>
    %iota3A_107 = tpu.iota {dimensions = array<i32: 0>} : vector<256x256xi32>
    %iota3A_108 = tpu.iota {dimensions = array<i32: 1>} : vector<256x256xi32>
    %gt3A = arith.cmpi sgt, %iota3A_107, %iota3A_108 : vector<256x256xi32>
    %convert_element_type3A_109 = arith.extui %gt3A : vector<256x256xi1> to vector<256x256xi32>
    %convert_element_type3A_110 = arith.sitofp %convert_element_type3A_109 : vector<256x256xi32> to vector<256x256xf32>
    %get3A_111 = arith.constant 0 : index
    %get3A_112 = arith.constant 0 : index
    %get3A_113 = vector.load %arg13[%get3A_111, %get3A_112] : memref<8x128xf32, #tpu.memory_space<vmem>>, vector<1x128xf32>
    %dot_general3A_114 = arith.constant dense<0.000000e+00> : vector<256x128xf32>
    %dot_general3A_115 = tpu.matmul %convert_element_type3A_110, %add3A_106, %dot_general3A_114 {dimension_numbers = #tpu.dot_dimension_numbers<[1], [0], [0], [1], [0, 0, 1, 1], [], []>, transpose_lhs_hint = false} : vector<256x256xf32>, vector<256x128xf32>, vector<256x128xf32> -> vector<256x128xf32>
    %add3A_116 = vector.broadcast %get3A_113 : vector<1x128xf32> to vector<256x128xf32>
    %add3A_117 = arith.addf %dot_general3A_115, %add3A_116 : vector<256x128xf32>
    %reduce_sum3A_118 = arith.constant dense<0.000000e+00> : vector<128xf32>
    %reduce_sum3A_119 = vector.multi_reduction <add>, %add3A_106, %reduce_sum3A_118 [0] : vector<256x128xf32> to vector<128xf32>
    %broadcast_in_dim3A_120 = vector.shape_cast %reduce_sum3A_119 : vector<128xf32> to vector<1x128xf32>
    %add3A_121 = arith.addf %get3A_113, %broadcast_in_dim3A_120 : vector<1x128xf32>
    %swap3A_122 = arith.constant 0 : index
    %swap3A_123 = arith.constant 0 : index
    %swap3A_124 = vector.load %arg13[%swap3A_122, %swap3A_123] : memref<8x128xf32, #tpu.memory_space<vmem>>, vector<1x128xf32>
    tpu.vector_store %arg13[%swap3A_122, %swap3A_123], %add3A_121 {strides = array<i32>} : memref<8x128xf32, #tpu.memory_space<vmem>>, vector<1x128xf32>,
    %mul3A_125 = arith.mulf %add3A_117, %convert_element_type3A_101 : vector<256x128xf32>
    %reduce_sum3A_126 = arith.constant dense<0.000000e+00> : vector<256xf32>
    %reduce_sum3A_127 = vector.multi_reduction <add>, %mul3A_125, %reduce_sum3A_126 [1] : vector<256x128xf32> to vector<256xf32>
    %broadcast_in_dim3A_128 = vector.shape_cast %reduce_sum3A_127 : vector<256xf32> to vector<256x1xf32>
    %convert_element_type3A_129 = arith.fptosi %broadcast_in_dim3A_128 : vector<256x1xf32> to vector<256x1xi32>
    %mul3A_130 = arith.mulf %add3A_117, %convert_element_type3A_105 : vector<256x128xf32>
    %reduce_sum3A_131 = arith.constant dense<0.000000e+00> : vector<256xf32>
    %reduce_sum3A_132 = vector.multi_reduction <add>, %mul3A_130, %reduce_sum3A_131 [1] : vector<256x128xf32> to vector<256xf32>
    %broadcast_in_dim3A_133 = vector.shape_cast %reduce_sum3A_132 : vector<256xf32> to vector<256x1xf32>
    %convert_element_type3A_134 = arith.fptosi %broadcast_in_dim3A_133 : vector<256x1xf32> to vector<256x1xi32>
    %lt3A_135 = arith.constant 320 : i32
    %lt3A_136 = vector.broadcast %lt3A_135 : i32 to vector<256x1xi32>
    %lt3A_137 = arith.cmpi slt, %convert_element_type3A_129, %lt3A_136 : vector<256x1xi32>
    %lt3A_138 = arith.constant 320 : i32
    %lt3A_139 = vector.broadcast %lt3A_138 : i32 to vector<256x1xi32>
    %lt3A_140 = arith.cmpi slt, %convert_element_type3A_134, %lt3A_139 : vector<256x1xi32>
    %mul3A_141 = arith.constant 320 : i32
    %mul3A_142 = vector.broadcast %mul3A_141 : i32 to vector<256x1xi32>
    %mul3A_143 = arith.muli %broadcast_in_dim3A_75, %mul3A_142 : vector<256x1xi32>
    %add3A_144 = arith.addi %mul3A_143, %convert_element_type3A_129 : vector<256x1xi32>
    %mul3A_145 = arith.constant 320 : i32
    %mul3A_146 = vector.broadcast %mul3A_145 : i32 to vector<256x1xi32>
    %mul3A_147 = arith.muli %broadcast_in_dim3A_91, %mul3A_146 : vector<256x1xi32>
    %add3A_148 = arith.addi %mul3A_147, %convert_element_type3A_134 : vector<256x1xi32>
    %jit3A_149 = arith.constant 5120 : i32
    %broadcast_in_dim3A_150 = vector.broadcast %jit3A_149 : i32 to vector<256x1xi32>
    %select_n3A_151 = arith.select %lt3A_137, %add3A_144, %broadcast_in_dim3A_150 : vector<256x1xi1>, vector<256x1xi32>
    %jit3A_152 = arith.constant 5120 : i32
    %broadcast_in_dim3A_153 = vector.broadcast %jit3A_152 : i32 to vector<256x1xi32>
    %select_n3A_154 = arith.select %lt3A_140, %add3A_148, %broadcast_in_dim3A_153 : vector<256x1xi1>, vector<256x1xi32>
    %jit3A_155 = arith.constant 0 : i32
    %broadcast_in_dim3A_156 = vector.broadcast %jit3A_155 : i32 to vector<256x1xi32>
    %select_n3A_157 = arith.select %lt3A_137, %add3A_144, %broadcast_in_dim3A_156 : vector<256x1xi1>, vector<256x1xi32>
    %jit3A_158 = arith.constant 0 : i32
    %broadcast_in_dim3A_159 = vector.broadcast %jit3A_158 : i32 to vector<256x1xi32>
    %select_n3A_160 = arith.select %lt3A_140, %add3A_148, %broadcast_in_dim3A_159 : vector<256x1xi1>, vector<256x1xi32>
    %jit3A_161 = arith.constant 0.000000e+00 : f32
    %broadcast_in_dim3A_162 = vector.broadcast %jit3A_161 : f32 to vector<256x1xf32>
    %select_n3A_163 = arith.select %lt3A_137, %div3A_96, %broadcast_in_dim3A_162 : vector<256x1xi1>, vector<256x1xf32>
    %jit3A_164 = arith.constant 0.000000e+00 : f32
    %broadcast_in_dim3A_165 = vector.broadcast %jit3A_164 : f32 to vector<256x1xf32>
    %select_n3A_166 = arith.select %lt3A_140, %div3A_97, %broadcast_in_dim3A_165 : vector<256x1xi1>, vector<256x1xf32>
    %eq3A_167 = arith.constant 0 : i32
    %eq3A_168 = vector.broadcast %eq3A_167 : i32 to vector<256x128xi32>
    %eq3A_169 = arith.cmpi eq, %iota3A, %eq3A_168 : vector<256x128xi32>
    %eq3A_170 = arith.constant 1 : i32
    %eq3A_171 = vector.broadcast %eq3A_170 : i32 to vector<256x128xi32>
    %eq3A_172 = arith.cmpi eq, %iota3A, %eq3A_171 : vector<256x128xi32>
    %eq3A_173 = arith.constant 2 : i32
    %eq3A_174 = vector.broadcast %eq3A_173 : i32 to vector<256x128xi32>
    %eq3A_175 = arith.cmpi eq, %iota3A, %eq3A_174 : vector<256x128xi32>
    %eq3A_176 = arith.constant 3 : i32
    %eq3A_177 = vector.broadcast %eq3A_176 : i32 to vector<256x128xi32>
    %eq3A_178 = arith.cmpi eq, %iota3A, %eq3A_177 : vector<256x128xi32>
    %jit3A_179 = arith.constant 0 : i32
    %broadcast_in_dim3A_180 = vector.shape_cast %select_n3A_160 : vector<256x1xi32> to vector<256x1xi32>
    %broadcast_in_dim3A_181 = vector.broadcast %broadcast_in_dim3A_180 : vector<256x1xi32> to vector<256x128xi32>
    %broadcast_in_dim3A_182 = vector.broadcast %jit3A_179 : i32 to vector<256x128xi32>
    %select_n3A_183 = arith.select %eq3A_178, %broadcast_in_dim3A_181, %broadcast_in_dim3A_182 : vector<256x128xi1>, vector<256x128xi32>
    %broadcast_in_dim3A_184 = vector.shape_cast %select_n3A_157 : vector<256x1xi32> to vector<256x1xi32>
    %broadcast_in_dim3A_185 = vector.broadcast %broadcast_in_dim3A_184 : vector<256x1xi32> to vector<256x128xi32>
    %select_n3A_186 = arith.select %eq3A_175, %broadcast_in_dim3A_185, %select_n3A_183 : vector<256x128xi1>, vector<256x128xi32>
    %broadcast_in_dim3A_187 = vector.shape_cast %select_n3A_154 : vector<256x1xi32> to vector<256x1xi32>
    %broadcast_in_dim3A_188 = vector.broadcast %broadcast_in_dim3A_187 : vector<256x1xi32> to vector<256x128xi32>
    %select_n3A_189 = arith.select %eq3A_172, %broadcast_in_dim3A_188, %select_n3A_186 : vector<256x128xi1>, vector<256x128xi32>
    %broadcast_in_dim3A_190 = vector.shape_cast %select_n3A_151 : vector<256x1xi32> to vector<256x1xi32>
    %broadcast_in_dim3A_191 = vector.broadcast %broadcast_in_dim3A_190 : vector<256x1xi32> to vector<256x128xi32>
    %select_n3A_192 = arith.select %eq3A_169, %broadcast_in_dim3A_191, %select_n3A_189 : vector<256x128xi1>, vector<256x128xi32>
    %swap3A_193 = arith.constant 0 : index
    %swap3A_194 = arith.constant 0 : index
    %swap3A_195 = vector.load %arg10[%swap3A_193, %swap3A_194] : memref<256x128xi32, #tpu.memory_space<vmem>>, vector<256x128xi32>
    tpu.vector_store %arg10[%swap3A_193, %swap3A_194], %select_n3A_192 {strides = array<i32>} : memref<256x128xi32, #tpu.memory_space<vmem>>, vector<256x128xi32>,
    %eq3A_196 = arith.constant 0 : i32
    %eq3A_197 = vector.broadcast %eq3A_196 : i32 to vector<256x128xi32>
    %eq3A_198 = arith.cmpi eq, %iota3A, %eq3A_197 : vector<256x128xi32>
    %eq3A_199 = arith.constant 1 : i32
    %eq3A_200 = vector.broadcast %eq3A_199 : i32 to vector<256x128xi32>
    %eq3A_201 = arith.cmpi eq, %iota3A, %eq3A_200 : vector<256x128xi32>
    %jit3A_202 = arith.constant 0.000000e+00 : f32
    %broadcast_in_dim3A_203 = vector.shape_cast %select_n3A_166 : vector<256x1xf32> to vector<256x1xf32>
    %broadcast_in_dim3A_204 = vector.broadcast %broadcast_in_dim3A_203 : vector<256x1xf32> to vector<256x128xf32>
    %broadcast_in_dim3A_205 = vector.broadcast %jit3A_202 : f32 to vector<256x128xf32>
    %select_n3A_206 = arith.select %eq3A_201, %broadcast_in_dim3A_204, %broadcast_in_dim3A_205 : vector<256x128xi1>, vector<256x128xf32>
    %broadcast_in_dim3A_207 = vector.shape_cast %select_n3A_163 : vector<256x1xf32> to vector<256x1xf32>
    %broadcast_in_dim3A_208 = vector.broadcast %broadcast_in_dim3A_207 : vector<256x1xf32> to vector<256x128xf32>
    %select_n3A_209 = arith.select %eq3A_198, %broadcast_in_dim3A_208, %select_n3A_206 : vector<256x128xi1>, vector<256x128xf32>
    %swap3A_210 = arith.constant 0 : index
    %swap3A_211 = arith.constant 0 : index
    %swap3A_212 = vector.load %arg11[%swap3A_210, %swap3A_211] : memref<256x128xf32, #tpu.memory_space<vmem>>, vector<256x128xf32>
    tpu.vector_store %arg11[%swap3A_210, %swap3A_211], %select_n3A_209 {strides = array<i32>} : memref<256x128xf32, #tpu.memory_space<vmem>>, vector<256x128xf32>,
    %eq3A_213 = arith.constant 7 : i32
    %eq3A_214 = arith.cmpi eq, %arg0, %eq3A_213 : i32
    %convert_element_type3A_215 = arith.extui %eq3A_214 : i1 to i32
    %cond3A_216 = arith.constant 0 : i32
    %cond3A_217 = arith.cmpi ne, %convert_element_type3A_215, %cond3A_216 : i32
    scf.if %cond3A_217 {
      %min3A = arith.constant 3.200000e+02 : f32
      %min3A_218 = vector.broadcast %min3A : f32 to vector<1x128xf32>
      %min3A_219 = arith.minimumf %add3A_121, %min3A_218 : vector<1x128xf32>
      %convert_element_type3A_220 = arith.fptosi %min3A_219 : vector<1x128xf32> to vector<1x128xi32>
      %broadcast_in_dim3A_221 = vector.shape_cast %convert_element_type3A_220 : vector<1x128xi32> to vector<1x128xi32>
      %broadcast_in_dim3A_222 = vector.broadcast %broadcast_in_dim3A_221 : vector<1x128xi32> to vector<8x128xi32>
      %swap3A_223 = arith.constant 0 : index
      %swap3A_224 = arith.constant 0 : index
      %swap3A_225 = vector.load %arg12[%swap3A_223, %swap3A_224] : memref<8x128xi32, #tpu.memory_space<vmem>>, vector<8x128xi32>
      tpu.vector_store %arg12[%swap3A_223, %swap3A_224], %broadcast_in_dim3A_222 {strides = array<i32>} : memref<8x128xi32, #tpu.memory_space<vmem>>, vector<8x128xi32>,
    } else {
    }
    return
  }
  func.func @transform_0(%arg0: i32) -> (i32, i32) {
    %c0_i32 = arith.constant 0 : i32
    %c0_i32_0 = arith.constant 0 : i32
    return %arg0, %c0_i32 : i32, i32
  }
  func.func @transform_1(%arg0: i32) -> (i32, i32) {
    %c0_i32 = arith.constant 0 : i32
    %c0_i32_0 = arith.constant 0 : i32
    %c0_i32_1 = arith.constant 0 : i32
    return %c0_i32, %c0_i32_0 : i32, i32
  }
  func.func @transform_2(%arg0: i32) -> (i32, i32) {
    %c0_i32 = arith.constant 0 : i32
    %c0_i32_0 = arith.constant 0 : i32
    %c0_i32_1 = arith.constant 0 : i32
    return %c0_i32, %c0_i32_0 : i32, i32
  }
  func.func @transform_3(%arg0: i32) -> (i32, i32) {
    %c0_i32 = arith.constant 0 : i32
    %c0_i32_0 = arith.constant 0 : i32
    return %arg0, %c0_i32 : i32, i32
  }
  func.func @transform_4(%arg0: i32) -> (i32, i32) {
    %c0_i32 = arith.constant 0 : i32
    %c0_i32_0 = arith.constant 0 : i32
    %c0_i32_1 = arith.constant 0 : i32
    return %c0_i32, %c0_i32_0 : i32, i32
  }
  func.func @transform_5(%arg0: i32) -> (i32, i32) {
    %c0_i32 = arith.constant 0 : i32
    %c0_i32_0 = arith.constant 0 : i32
    %c0_i32_1 = arith.constant 0 : i32
    return %c0_i32, %c0_i32_0 : i32, i32
  }
  func.func @transform_6(%arg0: i32) -> (i32, i32) {
    %c0_i32 = arith.constant 0 : i32
    %c0_i32_0 = arith.constant 0 : i32
    %c0_i32_1 = arith.constant 0 : i32
    return %c0_i32, %c0_i32_0 : i32, i32
  }
  func.func @transform_7(%arg0: i32) -> (i32, i32) {
    %c0_i32 = arith.constant 0 : i32
    %c0_i32_0 = arith.constant 0 : i32
    return %arg0, %c0_i32 : i32, i32
  }
  func.func @transform_8(%arg0: i32) -> (i32, i32) {
    %c0_i32 = arith.constant 0 : i32
    %c0_i32_0 = arith.constant 0 : i32
    return %arg0, %c0_i32 : i32, i32
  }
  func.func @transform_9(%arg0: i32) -> (i32, i32) {
    %c0_i32 = arith.constant 0 : i32
    %c0_i32_0 = arith.constant 0 : i32
    return %arg0, %c0_i32 : i32, i32
  }
  func.func @transform_10(%arg0: i32) -> (i32, i32) {
    %c0_i32 = arith.constant 0 : i32
    %c0_i32_0 = arith.constant 0 : i32
    return %arg0, %c0_i32 : i32, i32
  }
  func.func @transform_11(%arg0: i32) -> (i32, i32) {
    %c0_i32 = arith.constant 0 : i32
    %c0_i32_0 = arith.constant 0 : i32
    %c0_i32_1 = arith.constant 0 : i32
    return %c0_i32, %c0_i32_0 : i32, i32
  }
}

module attributes {stable_mosaic.version = 14 : i64} {
  func.func @_ffn_body(%arg0: i32, %arg1: i32, %arg2: memref<16xi32, #tpu.memory_space<smem>>, %arg3: memref<320x1024xf32, #tpu.memory_space<vmem>>, %arg4: memref<1x1024x1024xf32, #tpu.memory_space<vmem>>, %arg5: memref<1x1024x1024xf32, #tpu.memory_space<vmem>>, %arg6: memref<320x1024xf32, #tpu.memory_space<vmem>>) attributes {dimension_semantics = [#tpu.dimension_semantics<arbitrary>, #tpu.dimension_semantics<arbitrary>], iteration_bounds = array<i64: 16, 4>, scalar_prefetch = 1 : i64, scratch_operands = 0 : i64, tpu.core_type = #tpu.core_type<tc>, window_params = [{transform_indices = @transform_0, window_bounds = array<i64: 320, 1024>}, {transform_indices = @transform_1, window_bounds = array<i64: 1, 1024, 1024>}, {transform_indices = @transform_2, window_bounds = array<i64: 1, 1024, 1024>}, {transform_indices = @transform_3, window_bounds = array<i64: 320, 1024>}]} {
    %get3A = arith.constant 0 : index
    %get3A_0 = arith.constant 0 : index
    %get3A_1 = vector.load %arg3[%get3A, %get3A_0] : memref<320x1024xf32, #tpu.memory_space<vmem>>, vector<320x1024xf32>
    %convert_element_type3A = arith.truncf %get3A_1 : vector<320x1024xf32> to vector<320x1024xbf16>
    %get3A_2 = arith.constant 0 : index
    %get3A_3 = arith.constant 0 : index
    %get3A_4 = arith.constant 0 : index
    %get3A_5 = vector.load %arg4[%get3A_2, %get3A_3, %get3A_4] : memref<1x1024x1024xf32, #tpu.memory_space<vmem>>, vector<1x1024x1024xf32>
    %get3A_6 = vector.shape_cast %get3A_5 : vector<1x1024x1024xf32> to vector<1024x1024xf32>
    %convert_element_type3A_7 = arith.truncf %get3A_6 : vector<1024x1024xf32> to vector<1024x1024xbf16>
    %dot_general3A = arith.constant dense<0.000000e+00> : vector<320x1024xf32>
    %dot_general3A_8 = tpu.matmul %convert_element_type3A, %convert_element_type3A_7, %dot_general3A {dimension_numbers = #tpu.dot_dimension_numbers<[1], [0], [0], [1], [0, 0, 1, 1], [], []>, transpose_lhs_hint = false} : vector<320x1024xbf16>, vector<1024x1024xbf16>, vector<320x1024xf32> -> vector<320x1024xf32>
    %integer_pow3A = arith.mulf %dot_general3A_8, %dot_general3A_8 : vector<320x1024xf32>
    %integer_pow3A_9 = arith.mulf %dot_general3A_8, %integer_pow3A : vector<320x1024xf32>
    %mul3A = arith.constant 4.471500e-02 : f32
    %mul3A_10 = vector.broadcast %mul3A : f32 to vector<320x1024xf32>
    %mul3A_11 = arith.mulf %mul3A_10, %integer_pow3A_9 : vector<320x1024xf32>
    %add3A = arith.addf %dot_general3A_8, %mul3A_11 : vector<320x1024xf32>
    %mul3A_12 = arith.constant 0.797884583 : f32
    %mul3A_13 = vector.broadcast %mul3A_12 : f32 to vector<320x1024xf32>
    %mul3A_14 = arith.mulf %mul3A_13, %add3A : vector<320x1024xf32>
    %tanh3A = math.tanh %mul3A_14 : vector<320x1024xf32>
    %add3A_15 = arith.constant 1.000000e+00 : f32
    %add3A_16 = vector.broadcast %add3A_15 : f32 to vector<320x1024xf32>
    %add3A_17 = arith.addf %add3A_16, %tanh3A : vector<320x1024xf32>
    %mul3A_18 = arith.constant 5.000000e-01 : f32
    %mul3A_19 = vector.broadcast %mul3A_18 : f32 to vector<320x1024xf32>
    %mul3A_20 = arith.mulf %mul3A_19, %add3A_17 : vector<320x1024xf32>
    %mul3A_21 = arith.mulf %dot_general3A_8, %mul3A_20 : vector<320x1024xf32>
    %convert_element_type3A_22 = arith.truncf %mul3A_21 : vector<320x1024xf32> to vector<320x1024xbf16>
    %get3A_23 = arith.constant 0 : index
    %get3A_24 = arith.constant 0 : index
    %get3A_25 = arith.constant 0 : index
    %get3A_26 = vector.load %arg5[%get3A_23, %get3A_24, %get3A_25] : memref<1x1024x1024xf32, #tpu.memory_space<vmem>>, vector<1x1024x1024xf32>
    %get3A_27 = vector.shape_cast %get3A_26 : vector<1x1024x1024xf32> to vector<1024x1024xf32>
    %convert_element_type3A_28 = arith.truncf %get3A_27 : vector<1024x1024xf32> to vector<1024x1024xbf16>
    %dot_general3A_29 = arith.constant dense<0.000000e+00> : vector<320x1024xf32>
    %dot_general3A_30 = tpu.matmul %convert_element_type3A_22, %convert_element_type3A_28, %dot_general3A_29 {dimension_numbers = #tpu.dot_dimension_numbers<[1], [0], [0], [1], [0, 0, 1, 1], [], []>, transpose_lhs_hint = false} : vector<320x1024xbf16>, vector<1024x1024xbf16>, vector<320x1024xf32> -> vector<320x1024xf32>
    %eq3A = arith.constant 0 : i32
    %eq3A_31 = arith.cmpi eq, %arg1, %eq3A : i32
    %convert_element_type3A_32 = arith.extui %eq3A_31 : i1 to i32
    %cond3A = arith.constant 0 : i32
    %cond3A_33 = arith.cmpi ne, %convert_element_type3A_32, %cond3A : i32
    scf.if %cond3A_33 {
      %swap3A = arith.constant 0 : index
      %swap3A_43 = arith.constant 0 : index
      %swap3A_44 = vector.load %arg6[%swap3A, %swap3A_43] : memref<320x1024xf32, #tpu.memory_space<vmem>>, vector<320x1024xf32>
      tpu.vector_store %arg6[%swap3A, %swap3A_43], %dot_general3A_30 {strides = array<i32>} : memref<320x1024xf32, #tpu.memory_space<vmem>>, vector<320x1024xf32>,
    } else {
    }
    %gt3A = arith.constant 0 : i32
    %gt3A_34 = arith.cmpi sgt, %arg1, %gt3A : i32
    %convert_element_type3A_35 = arith.extui %gt3A_34 : i1 to i32
    %cond3A_36 = arith.constant 0 : i32
    %cond3A_37 = arith.cmpi ne, %convert_element_type3A_35, %cond3A_36 : i32
    scf.if %cond3A_37 {
      %get3A_43 = arith.constant 0 : index
      %get3A_44 = arith.constant 0 : index
      %get3A_45 = vector.load %arg6[%get3A_43, %get3A_44] : memref<320x1024xf32, #tpu.memory_space<vmem>>, vector<320x1024xf32>
      %add3A_46 = arith.addf %get3A_45, %dot_general3A_30 : vector<320x1024xf32>
      %swap3A = arith.constant 0 : index
      %swap3A_47 = arith.constant 0 : index
      %swap3A_48 = vector.load %arg6[%swap3A, %swap3A_47] : memref<320x1024xf32, #tpu.memory_space<vmem>>, vector<320x1024xf32>
      tpu.vector_store %arg6[%swap3A, %swap3A_47], %add3A_46 {strides = array<i32>} : memref<320x1024xf32, #tpu.memory_space<vmem>>, vector<320x1024xf32>,
    } else {
    }
    %eq3A_38 = arith.constant 3 : i32
    %eq3A_39 = arith.cmpi eq, %arg1, %eq3A_38 : i32
    %convert_element_type3A_40 = arith.extui %eq3A_39 : i1 to i32
    %cond3A_41 = arith.constant 0 : i32
    %cond3A_42 = arith.cmpi ne, %convert_element_type3A_40, %cond3A_41 : i32
    scf.if %cond3A_42 {
      %get3A_43 = arith.index_cast %arg0 : i32 to index
      %get3A_44 = memref.load %arg2[%get3A_43] : memref<16xi32, #tpu.memory_space<smem>>
      %iota3A = tpu.iota {dimensions = array<i32: 0>} : vector<320x1024xi32>
      %lt3A = vector.broadcast %get3A_44 : i32 to vector<320x1024xi32>
      %lt3A_45 = arith.cmpi slt, %iota3A, %lt3A : vector<320x1024xi32>
      %get3A_46 = arith.constant 0 : index
      %get3A_47 = arith.constant 0 : index
      %get3A_48 = vector.load %arg6[%get3A_46, %get3A_47] : memref<320x1024xf32, #tpu.memory_space<vmem>>, vector<320x1024xf32>
      %jit3A = arith.constant 0.000000e+00 : f32
      %broadcast_in_dim3A = vector.broadcast %jit3A : f32 to vector<320x1024xf32>
      %select_n3A = arith.select %lt3A_45, %get3A_48, %broadcast_in_dim3A : vector<320x1024xi1>, vector<320x1024xf32>
      %swap3A = arith.constant 0 : index
      %swap3A_49 = arith.constant 0 : index
      %swap3A_50 = vector.load %arg6[%swap3A, %swap3A_49] : memref<320x1024xf32, #tpu.memory_space<vmem>>, vector<320x1024xf32>
      tpu.vector_store %arg6[%swap3A, %swap3A_49], %select_n3A {strides = array<i32>} : memref<320x1024xf32, #tpu.memory_space<vmem>>, vector<320x1024xf32>,
    } else {
    }
    return
  }
  func.func @transform_0(%arg0: i32, %arg1: i32, %arg2: memref<16xi32, #tpu.memory_space<smem>>) -> (i32, i32) {
    %c0_i32 = arith.constant 0 : i32
    %c0_i32_0 = arith.constant 0 : i32
    return %arg0, %c0_i32 : i32, i32
  }
  func.func @transform_1(%arg0: i32, %arg1: i32, %arg2: memref<16xi32, #tpu.memory_space<smem>>) -> (i32, i32, i32) {
    %c0_i32 = arith.constant 0 : i32
    %c0_i32_0 = arith.constant 0 : i32
    return %arg0, %c0_i32, %arg1 : i32, i32, i32
  }
  func.func @transform_2(%arg0: i32, %arg1: i32, %arg2: memref<16xi32, #tpu.memory_space<smem>>) -> (i32, i32, i32) {
    %c0_i32 = arith.constant 0 : i32
    %c0_i32_0 = arith.constant 0 : i32
    return %arg0, %arg1, %c0_i32 : i32, i32, i32
  }
  func.func @transform_3(%arg0: i32, %arg1: i32, %arg2: memref<16xi32, #tpu.memory_space<smem>>) -> (i32, i32) {
    %c0_i32 = arith.constant 0 : i32
    %c0_i32_0 = arith.constant 0 : i32
    return %arg0, %c0_i32 : i32, i32
  }
}

module attributes {stable_mosaic.version = 14 : i64} {
  func.func @_combine_body(%arg0: i32, %arg1: memref<256x1024xf32, #tpu.memory_space<vmem>>, %arg2: memref<256x1024xf32, #tpu.memory_space<vmem>>, %arg3: memref<256x1024xf32, #tpu.memory_space<vmem>>, %arg4: memref<256x128xf32, #tpu.memory_space<vmem>>, %arg5: memref<256x1024xf32, #tpu.memory_space<vmem>>) attributes {dimension_semantics = [#tpu.dimension_semantics<arbitrary>], iteration_bounds = array<i64: 8>, scalar_prefetch = 0 : i64, scratch_operands = 0 : i64, tpu.core_type = #tpu.core_type<tc>, window_params = [{transform_indices = @transform_0, window_bounds = array<i64: 256, 1024>}, {transform_indices = @transform_1, window_bounds = array<i64: 256, 1024>}, {transform_indices = @transform_2, window_bounds = array<i64: 256, 1024>}, {transform_indices = @transform_3, window_bounds = array<i64: 256, 128>}, {transform_indices = @transform_4, window_bounds = array<i64: 256, 1024>}]} {
    %get3A = arith.constant 0 : index
    %get3A_0 = arith.constant 0 : index
    %get3A_1 = vector.load %arg4[%get3A, %get3A_0] : memref<256x128xf32, #tpu.memory_space<vmem>>, vector<256x1xf32>
    %get3A_2 = arith.constant 0 : index
    %get3A_3 = arith.constant 1 : index
    %get3A_4 = vector.load %arg4[%get3A_2, %get3A_3] : memref<256x128xf32, #tpu.memory_space<vmem>>, vector<256x1xf32>
    %get3A_5 = arith.constant 0 : index
    %get3A_6 = arith.constant 0 : index
    %get3A_7 = vector.load %arg1[%get3A_5, %get3A_6] : memref<256x1024xf32, #tpu.memory_space<vmem>>, vector<256x1024xf32>
    %get3A_8 = arith.constant 0 : index
    %get3A_9 = arith.constant 0 : index
    %get3A_10 = vector.load %arg2[%get3A_8, %get3A_9] : memref<256x1024xf32, #tpu.memory_space<vmem>>, vector<256x1024xf32>
    %mul3A = vector.broadcast %get3A_1 : vector<256x1xf32> to vector<256x1024xf32>
    %mul3A_11 = arith.mulf %mul3A, %get3A_10 : vector<256x1024xf32>
    %add3A = arith.addf %get3A_7, %mul3A_11 : vector<256x1024xf32>
    %get3A_12 = arith.constant 0 : index
    %get3A_13 = arith.constant 0 : index
    %get3A_14 = vector.load %arg3[%get3A_12, %get3A_13] : memref<256x1024xf32, #tpu.memory_space<vmem>>, vector<256x1024xf32>
    %mul3A_15 = vector.broadcast %get3A_4 : vector<256x1xf32> to vector<256x1024xf32>
    %mul3A_16 = arith.mulf %mul3A_15, %get3A_14 : vector<256x1024xf32>
    %add3A_17 = arith.addf %add3A, %mul3A_16 : vector<256x1024xf32>
    %swap3A = arith.constant 0 : index
    %swap3A_18 = arith.constant 0 : index
    %swap3A_19 = vector.load %arg5[%swap3A, %swap3A_18] : memref<256x1024xf32, #tpu.memory_space<vmem>>, vector<256x1024xf32>
    tpu.vector_store %arg5[%swap3A, %swap3A_18], %add3A_17 {strides = array<i32>} : memref<256x1024xf32, #tpu.memory_space<vmem>>, vector<256x1024xf32>,
    return
  }
  func.func @transform_0(%arg0: i32) -> (i32, i32) {
    %c0_i32 = arith.constant 0 : i32
    %c0_i32_0 = arith.constant 0 : i32
    return %arg0, %c0_i32 : i32, i32
  }
  func.func @transform_1(%arg0: i32) -> (i32, i32) {
    %c0_i32 = arith.constant 0 : i32
    %c0_i32_0 = arith.constant 0 : i32
    return %arg0, %c0_i32 : i32, i32
  }
  func.func @transform_2(%arg0: i32) -> (i32, i32) {
    %c0_i32 = arith.constant 0 : i32
    %c0_i32_0 = arith.constant 0 : i32
    return %arg0, %c0_i32 : i32, i32
  }
  func.func @transform_3(%arg0: i32) -> (i32, i32) {
    %c0_i32 = arith.constant 0 : i32
    %c0_i32_0 = arith.constant 0 : i32
    return %arg0, %c0_i32 : i32, i32
  }
  func.func @transform_4(%arg0: i32) -> (i32, i32) {
    %c0_i32 = arith.constant 0 : i32
    %c0_i32_0 = arith.constant 0 : i32
    return %arg0, %c0_i32 : i32, i32
  }
}

</mosaic_0001>

<sc_bundles>
// kernel: kernel.12.cloned.1.call-start
scs
__scs_entry_jumppad:
0x0: {  	(pc) =	sbr.rel $0x88, $3  }
0x1: {  	(tag) =	ssettag $0x0;
	lr =	simm.s32 $0x1  }
0x2: {  	[smem:$0x3F95] =	sst lr;
	_ =	strace $0xD0000000  }
0x3: {  	_ = 	snop  }
0x4: {  	_ = 	snop  }
0x5: {  	_ = 	snop  }
0x6: {  	_ = 	snop  }
0x7: {  	_ = 	snop  }
__scs_overlays_trampoline_lowered:
0x8: {  	[smem:$0x3FA4] =	sst s0  }
0x9: {  	[smem:$0x3FA5] =	sst s1  }
0xa: {  	[smem:$0x3FA6] =	sst s2  }
0xb: {  	[smem:$0x3FA7] =	sst s3  }
0xc: {  	[smem:$0x3FA8] =	sst s4  }
0xd: {  	[smem:$0x3FA9] =	sst s5  }
0xe: {  	[smem:$0x3FAA] =	sst s6  }
0xf: {  	[smem:$0x3FAB] =	sst s7  }
0x10: {  	[smem:$0x3FAC] =	sst s8  }
0x11: {  	[smem:$0x3FAD] =	sst s9;
	s0 =	simm.s32 @!p0 $0x0  }
0x12: {  	s1 =	sld [smem:$0x3F93];
	s0 =	simm.s32 @p0 $0x1  }
0x13: {  	[smem:$0x3FAE] =	sst s0;
	s0 =	simm.s32 @!p1 $0x0  }
0x14: {  	s2 =	sld [smem:$0x3F92];
	s0 =	simm.s32 @p1 $0x1  }
0x15: {  	[smem:$0x3FAF] =	sst s0;
	s0 =	simm.s32 @!p2 $0x0  }
0x16: {  	s3 =	sld [smem:$0x3FDB];
	s0 =	simm.s32 @p2 $0x1  }
0x17: {  	s4 =	simm.s32 $0x1BF5;
	[smem:$0x3FB1] =	sst s0  }
0x18: {  	s0 =	sld [smem:$0x3F94];
	_ =	swait.ge [sflag:s4], $0x0  }
0x19: {  	s7 =	sld [smem:$0x3F95]  }
0x1a: {  	s8 =	sadd.s32 $0xFFFFE003, lr  }
0x1b: {  	s9 =	sadd.s32 $0xFFFFFEF7, lr;
	s5 =	simm.s32 $0xFFFFFFFF;
	p2 =	slt.u32 s8, $0xFFFFF086  }
0x1c: {  	p1 =	slt.u32 s9, $0xF7A;
	s5 =	simm.s32 @!p2 $0x0  }
0x1d: {  	s5 =	simm.s32 @p1 $0x1;
	p0 =	seq.s32 s7, s2  }
0x1e: {  	s7 =	smul.u32 @!p0 $0xF7A, s2;
	p2 =	seq.s32 @!p0 s5, $0x0  }
0x1f: {  	s9 =	smul.u32 $0xF7A, s1;
	s8 =	simm.s32 @!p0 $0x1BF5;
	p2 =	por !p2, p0  }
0x20: {  	[sflag:s8] =	ssyncset.s32 @!p0 $0xFFFFF086;
	s6 =	sadd.s32 @!p0 s3, s7;
	s7 =	simm.s32 @!p0 $0x108  }
0x21: {  	s3 =	sadd.s32 s3, s9;
	s6 =	sadd.s32 @!p0 $0x88, s6;
	s7 =	simm.s32 @p2 $0x1082  }
0x22: {  	[simem:s7], [sflag:s8] =	dma.local @!p0 [hbm:s6], $0xF7A  }
0x23: {  	s9 =	sor.u32 $0xD0000000, s2;
	s6 =	simm.s32 $0x108;
	_ =	swait.ge @!p0 [sflag:s8], $0x0  }
0x24: {  	s3 =	sadd.s32 $0x88, s3;
	s6 =	simm.s32 @!p1 $0x1082;
	[sflag:s4] =	ssyncset.s32 $0xFFFFF086  }
0x25: {  	[simem:s6], [sflag:s4] =	dma.local [hbm:s3], $0xF7A  }
0x26: {  	[smem:$0x3F95] =	sst s1;
	(tag) =	ssettag s2;
	_ =	strace s9  }
0x27: {  	s1 =	sld [smem:$0x3FA5]  }
0x28: {  	s2 =	sld [smem:$0x3FA6]  }
0x29: {  	s4 =	sld [smem:$0x3FA8]  }
0x2a: {  	p0 =	seq.s32 s5, $0x0;
	s5 =	sld [smem:$0x3FA9]  }
0x2b: {  	s6 =	sld [smem:$0x3FAA]  }
0x2c: {  	s7 =	sld [smem:$0x3FAB]  }
0x2d: {  	s3 =	simm.s32 $0x108;
	s8 =	sld [smem:$0x3FAC]  }
0x2e: {  	s3 =	simm.s32 @!p0 $0x1082;
	s9 =	sld [smem:$0x3FAD]  }
0x2f: {  	lr =	sadd.s32 s0, s3;
	s0 =	sld [smem:$0x3FA4]  }
0x30: {  	s3 =	sld [smem:$0x3FA7]  }
0x31: {  	[smem:$0x3FB0] =	sst s10  }
0x32: {  	s10 =	sld [smem:$0x3FAE];
	_ =	sdelay $0x3  }
0x33: {  	p0 =	seq.s32 s10, $0x1;
	s10 =	sld [smem:$0x3FB0];
	_ =	sdelay $0x3  }
0x34: {  	[smem:$0x3FB0] =	sst s10  }
0x35: {  	s10 =	sld [smem:$0x3FAF];
	_ =	sdelay $0x3  }
0x36: {  	p1 =	seq.s32 s10, $0x1;
	s10 =	sld [smem:$0x3FB0];
	_ =	sdelay $0x3  }
0x37: {  	[smem:$0x3FB0] =	sst s10  }
0x38: {  	s10 =	sld [smem:$0x3FB1]  }
0x39: {  	_ = 	snop;
	(pc) =	sbr.ind lr, $3  }
0x3a: {  	_ = 	snop  }
0x3b: {  	_ = 	snop  }
0x3c: {  	p2 =	seq.s32 s10, $0x1;
	s10 =	sld [smem:$0x3FB0]  }
0x3d: {  	_ =	shalt  }
0x3e: {  	_ =	shalt  }
0x3f: {  	_ =	shalt  }
0x40: {  	_ =	shalt  }
0x41: {  	_ =	shalt  }
0x42: {  	_ =	shalt  }
0x43: {  	_ =	shalt  }
0x44: {  	_ =	shalt  }
0x45: {  	_ =	shalt  }
0x46: {  	_ =	shalt  }
0x47: {  	_ =	shalt  }
0x48: {  	_ =	shalt  }
0x49: {  	_ =	shalt  }
0x4a: {  	_ =	shalt  }
0x4b: {  	_ =	shalt  }
0x4c: {  	_ =	shalt  }
0x4d: {  	_ =	shalt  }
0x4e: {  	_ =	shalt  }
0x4f: {  	_ =	shalt  }
0x50: {  	_ =	shalt  }
0x51: {  	_ =	shalt  }
0x52: {  	_ =	shalt  }
0x53: {  	_ =	shalt  }
0x54: {  	_ =	shalt  }
0x55: {  	_ =	shalt  }
0x56: {  	_ =	shalt  }
0x57: {  	_ =	shalt  }
0x58: {  	_ =	shalt  }
0x59: {  	_ =	shalt  }
0x5a: {  	_ =	shalt  }
0x5b: {  	_ =	shalt  }
0x5c: {  	_ =	shalt  }
0x5d: {  	_ =	shalt  }
0x5e: {  	_ =	shalt  }
0x5f: {  	_ =	shalt  }
0x60: {  	_ =	shalt  }
0x61: {  	_ =	shalt  }
0x62: {  	_ =	shalt  }
0x63: {  	_ =	shalt  }
0x64: {  	_ =	shalt  }
0x65: {  	_ =	shalt  }
0x66: {  	_ =	shalt  }
0x67: {  	_ =	shalt  }
0x68: {  	_ =	shalt  }
0x69: {  	_ =	shalt  }
0x6a: {  	_ =	shalt  }
0x6b: {  	_ =	shalt  }
0x6c: {  	_ =	shalt  }
0x6d: {  	_ =	shalt  }
0x6e: {  	_ =	shalt  }
0x6f: {  	_ =	shalt  }
0x70: {  	_ =	shalt  }
0x71: {  	_ =	shalt  }
0x72: {  	_ =	shalt  }
0x73: {  	_ =	shalt  }
0x74: {  	_ =	shalt  }
0x75: {  	_ =	shalt  }
0x76: {  	_ =	shalt  }
0x77: {  	_ =	shalt  }
0x78: {  	_ =	shalt  }
0x79: {  	_ =	shalt  }
0x7a: {  	_ =	shalt  }
0x7b: {  	_ =	shalt  }
0x7c: {  	_ =	shalt  }
0x7d: {  	_ =	shalt  }
0x7e: {  	_ =	shalt  }
0x7f: {  	_ =	shalt  }
0x80: {  	_ =	shalt  }
0x81: {  	_ =	shalt  }
0x82: {  	_ =	shalt  }
0x83: {  	_ =	shalt  }
0x84: {  	_ =	shalt  }
0x85: {  	_ =	shalt  }
0x86: {  	_ =	shalt  }
0x87: {  	_ =	shalt  }
.Lfunc_end0:
.L_simem_size_0:
called_computation.1_lowered:
.L_overlay_start_0:
0x88: {  	s2 =	sld [smem:$0x3FD9]  }
0x89: {  	s3 =	sld [smem:$0x3FFE];
	_ =	sdelay $0x1  }
0x8a: {  	s1 =	srdreg.scid  }
0x8b: {  	s0 =	sand.u32 $0x1, s1  }
0x8c: {  	s16 =	sshll.u32 s0, $0xA;
	s2 =	sadd.s32 s3, s2  }
0x8d: {  	s2 =	sadd.s32 s2, s16  }
0x8e: {  	[smem:$0x3FBC] =	sst s2  }
0x8f: {  	_ = 	snop  }
0x90: {  	(tm) =	ssettm $0x1  }
0x91: {  	s17 =	sld [smem:$0x3FFB];
	_ =	sdelay $0x3  }
0x92: {  	_ =	strace s17  }
0x93: {  	s2 =	sld [smem:$0x3FFC];
	_ =	sdelay $0x3  }
0x94: {  	_ =	strace s2  }
0x95: {  	s2 =	sld [smem:$0x3FFD];
	_ =	sdelay $0x3  }
0x96: {  	_ =	strace s2  }
0x97: {  	_ =	strace $0x8FFFFFFF  }
0x98: {  	s18 =	sld [smem:$0x3FDB];
	_ =	sdelay $0x1  }
0x99: {  	s19 =	simm.s32 $_scs_section_size  }
0x9a: {  	s4 =	simm.s32 $_size__tile_overlayer_lowered;
	s5 =	simm.s32 $_tile_overlayer_lowered  }
0x9b: {  	s22 =	simm.s32 $0x1BFF;
	s21 =	sshll.u32 s5, $0x1;
	s2 =	sadd.s32 s19, s18  }
0x9c: {  	s6 =	simm.s32 $0x0;
	s20 =	sshll.u32 s4, $0x1;
	s4 =	sadd.s32 s21, s2  }
0x9d: {  	[timem:s6], [sflag:s22] =	dma.local [hbm:s4], s20  }
0x9e: {  	_ =	swait.ge [sflag:s22], s20  }
0x9f: {  	s3 =	ssub.s32 $0x0, s20;
	[sflag:s22] =	ssyncset.done $0x0  }
0xa0: {  	[sflag:s22] =	ssyncadd.s32 s3;
	_ =	sdelay $0x1  }
0xa1: {  	s23 =	simm.s32 $0x1B8B  }
0xa2: {  	_ =	swait.ge [sflag:s23], $0x1  }
0xa3: {  	[sflag:s23] =	ssyncset.done $0x0  }
0xa4: {  	s25 =	simm.s32 $0x1B8E;
	s24 =	sld [smem:$0x3FFE];
	[sflag:s23] =	ssyncadd.s32 $0xFFFFFFFF  }
0xa5: {  	s26 =	simm.s32 $execute0_lowered;
	[smem:$0x3FD2] =	sst s25  }
0xa6: {  	s4 =	sshll.u32 s26, $0x1;
	_ =	strace $0x80000049;
	[dreg:$0x1] =	wrdreg $0xFFFFFFFF  }
0xa7: {  	s28 =	simm.s32 $_size_execute0_lowered;
	s2 =	sadd.s32 s2, s4;
	[dreg:$0x0] =	wrdreg $0x0  }
0xa8: {  	s4 =	sshll.u32 s28, $0x1;
	[dreg:$0x2] =	wrdreg s2  }
0xa9: {  	[dreg:$0x3] =	wrdreg s4  }
0xaa: {  	[dreg:$0x4] =	wrdreg $0xC0  }
0xab: {  	_ =	task [dreg:s6], $0x5FFFF  }
0xac: {  	[dreg:$0x1] =	wrdreg $0xFFFFFFFF  }
0xad: {  	[dreg:$0x0] =	wrdreg $0x60  }
0xae: {  	[dreg:$0x2] =	wrdreg s24  }
0xaf: {  	[dreg:$0x3] =	wrdreg $0x9  }
0xb0: {  	_ =	task.clear_ibuf [dreg:s6], $0x4FFFF;
	_ =	strace $0x90000049  }
0xb1: {  	s29 =	simm.s32 $0x9;
	_ =	strace $0x8000004B  }
0xb2: {  	_ =	swait.ge [sflag:s29], $0x1  }
0xb3: {  	[sflag:s29] =	ssyncadd.s32 $0xFFFFFFFF  }
0xb4: {  	_ =	strace $0x9000004B  }
0xb5: {  	_ =	sfence  }
0xb6: {  	s30 =	sld [smem:$0x0];
	_ =	sdelay $0x2  }
0xb7: {  	s31 =	sshll.u32 s1, $0xD;
	s1 =	sshrl.u32 s1, $0x2  }
0xb8: {  	s3 =	sand.u32 $0x4000, s31;
	s1 =	sadd.s32 s1, s30  }
0xb9: {  	s0 =	sor.u32 s3, s0;
	s1 =	sshll.u32 s1, $0x11  }
0xba: {  	s0 =	sor.u32 s1, s0  }
0xbb: {  	s0 =	sadd.s32 $0x8F2B, s0  }
0xbc: {  	[sflag:s0] =	ssyncadd.remote.s32 $0x1  }
0xbd: {  	_ =	sfence.sel $0xFFFF  }
0xbe: {  	[dreg:$0x0] =	wrdreg $0xFFFFFFFF;
	(pc) =	sbr.abs _section_cstart, $3  }
0xbf: {  	[dreg:$0x1] =	wrdreg $0xFFFFFFFF  }
0xc0: {  	_ =	task.clear_ibuf [dreg:s6], $0x2FFFF;
	_ =	strace $0x9FFFFFFF  }
0xc1: {  	(tm) =	ssettm $0x7FFFFFFF  }
tec
execute0_lowered:
.L_overlay_start_1:
0x0: {  	(tag) =	ssettag $0x1  }
0x1: {  	s0 =	rddreg [dreg:$0x0];
	s1 =	srdreg.scid  }
0x2: {  	s2 =	simm.s32 $0x0;
	s3 =	stileid.u32;
	s9 =	simm.s32 $0x2  }
0x3: {  	s17 =	simm.s32 $0x1;
	s19 =	simm.s32 $0x10000;
	s20 =	simm.s32 $0x800  }
0x4: {  	s21 =	simm.s32 $0x1000;
	s22 =	simm.s32 $0x1800;
	s28 =	simm.s32 $0x4000  }
0x5: {  	s29 =	simm.s32 $0x4800;
	s30 =	simm.s32 $0x5000;
	s31 =	simm.s32 $0x5800  }
0x6: {  	s10 =	simm.s32 $0x7800;
	s11 =	simm.s32 $0x8000;
	s12 =	simm.s32 $0x8800  }
0x7: {  	s13 =	simm.s32 $0x9000;
	s14 =	simm.s32 $0x9800;
	s15 =	simm.s32 $0xA000  }
0x8: {  	s16 =	simm.s32 $0xA800;
	s1 =	sand.u32 $0x1, s1;
	[smem:$0x7FF] =	sst s2  }
0x9: {  	s3 =	sshll.u32 s3, $0x7;
	s4 =	sshll.u32 s1, $0x6;
	_ =	strace $0x8000004A  }
0xa: {  	s1 =	ssub.s32 $0x2, s1;
	s4 =	sor.u32 s4, s3;
	s3 =	sadd.s32 $0x4A200, s0  }
0xb: {  	s23 =	sshrl.u32 s1, $0x1;
	s5 =	sshrl.u32 s4, $0x3;
	s4 =	sshll.u32 s4, $0x7  }
0xc: {  	s1 =	ssub.s32 s1, s23;
	s23 =	simm.s32 $0x2000;
	s6 =	sadd.s32 s5, s0  }
0xd: {  	s7 =	sadd.s32 s4, s0;
	s4 =	sadd.s32 $0x4A300, s0;
	s24 =	sadd.s32 $0x4A000, s6  }
0xe: {  	s5 =	sadd.s32 $0x4A400, s0;
	s8 =	sadd.s32 $0x1A00, s7;
	[dreg:$0x2] =	wrdreg s24  }
0xf: {  	s25 =	sadd.s32 $0x49E00, s6;
	s6 =	sadd.s32 $0x4A500, s0;
	[dreg:$0x3] =	wrdreg s8  }
0x10: {  	v2 =	vlaneseq.u32;
	s26 =	sadd.s32 $0xEA200, s7;
	s7 =	smax.u32 s1, $0x1;
	[dreg:$0x4] =	wrdreg s25  }
0x11: {  	vm0 =	vmmov $0xffff;
	v1 =	vshrl.u32 v2, $0x3;
	s1 =	simm.s32 $0x6800;
	[dreg:$0x5] =	wrdreg s26;
	s24 =	simm.s32 $0x2800  }
0x12: {  	v0 =	vand.u32 $0x7, v2;
	v2 =	vor.u32 $0x8, v2;
	v1 =	vmul.u32 $0x8, v1;
	s25 =	simm.s32 $0x3000;
	s26 =	simm.s32 $0x3800;
	s8 =	simm.s32 $0x7000  }
.LBB2_1:
0x13: {  	s18 =	rddreg [dreg:$0x2]  }
0x14: {  	[tilespmem:s19], [sflag:$0x2] =	stream.linear.gather [hbm4b:s18+s2], $0x40, $0x38;
	[tilespmem:$0x10080] =	vst v63  }
0x15: {  	_ =	swait.ge [sflag:s9], $0x40  }
0x16: {  	[sflag:s9] =	ssyncset.done $0x0  }
0x17: {  	[sflag:s9] =	ssyncadd.s32 $0xFFFFFFC0  }
0x18: {  	v3 =	vld [tilespmem:$0x10000];
	_ =	sdelay $0x4  }
0x19: {  	v4 =	vshll.u32 v3, $0x3  }
0x1a: {  	v3 =	vand.u32 $0x7, v3;
	v4 =	vand.u32 $0xFFFFFFC0, v4  }
0x1b: {  	v3 =	vor.u32 v3, v4  }
0x1c: {  	v4 =	vperm.xlane v3, v0;
	_ =	sdelay $0x1  }
0x1d: {  	v4 =	vadd.s32 v1, v4;
	_ =	sdelay $0x4  }
0x1e: {  	[tilespmem:s2], [sflag:$0x1] =	stream.indirect_vreg.gather [hbm4b:s3+s2], $0x80, v4, vm0, $0xb8;
	[tilespmem:$0x10080] =	vst v63  }
0x1f: {  	v3 =	vperm.xlane v3, v2  }
0x20: {  	[tilespmem:s20], [sflag:$0x1] =	stream.indirect_vreg.gather [hbm4b:s4+s2], $0x80, v4, vm0, $0xb8;
	[tilespmem:$0x10080] =	vst v63  }
0x21: {  	v3 =	vadd.s32 v1, v3  }
0x22: {  	[tilespmem:s21], [sflag:$0x1] =	stream.indirect_vreg.gather [hbm4b:s5+s2], $0x80, v4, vm0, $0xb8;
	[tilespmem:$0x10080] =	vst v63  }
0x23: {  	_ = 	snop  }
0x24: {  	[tilespmem:s22], [sflag:$0x1] =	stream.indirect_vreg.gather [hbm4b:s6+s2], $0x80, v4, vm0, $0xb8;
	[tilespmem:$0x10080] =	vst v63  }
0x25: {  	_ = 	snop  }
0x26: {  	[tilespmem:s23], [sflag:$0x1] =	stream.indirect_vreg.gather [hbm4b:s3+s2], $0x80, v3, vm0, $0xb8;
	[tilespmem:$0x10080] =	vst v63  }
0x27: {  	_ = 	snop  }
0x28: {  	[tilespmem:s24], [sflag:$0x1] =	stream.indirect_vreg.gather [hbm4b:s4+s2], $0x80, v3, vm0, $0xb8;
	[tilespmem:$0x10080] =	vst v63  }
0x29: {  	_ = 	snop  }
0x2a: {  	[tilespmem:s25], [sflag:$0x1] =	stream.indirect_vreg.gather [hbm4b:s5+s2], $0x80, v3, vm0, $0xb8;
	[tilespmem:$0x10080] =	vst v63  }
0x2b: {  	_ = 	snop  }
0x2c: {  	[tilespmem:s26], [sflag:$0x1] =	stream.indirect_vreg.gather [hbm4b:s6+s2], $0x80, v3, vm0, $0xb8;
	[tilespmem:$0x10080] =	vst v63  }
0x2d: {  	v3 =	vld [tilespmem:$0x10010];
	_ =	sdelay $0x4  }
0x2e: {  	v57 =	vshll.u32 v3, $0x3  }
0x2f: {  	v3 =	vand.u32 $0x7, v3;
	v4 =	vand.u32 $0xFFFFFFC0, v57  }
0x30: {  	v3 =	vor.u32 v3, v4  }
0x31: {  	v4 =	vperm.xlane v3, v0;
	_ =	sdelay $0x1  }
0x32: {  	v4 =	vadd.s32 v1, v4;
	_ =	sdelay $0x4  }
0x33: {  	[tilespmem:s28], [sflag:$0x1] =	stream.indirect_vreg.gather [hbm4b:s3+s2], $0x80, v4, vm0, $0xb8;
	[tilespmem:$0x10080] =	vst v63  }
0x34: {  	v3 =	vperm.xlane v3, v2  }
0x35: {  	[tilespmem:s29], [sflag:$0x1] =	stream.indirect_vreg.gather [hbm4b:s4+s2], $0x80, v4, vm0, $0xb8;
	[tilespmem:$0x10080] =	vst v63  }
0x36: {  	v3 =	vadd.s32 v1, v3  }
0x37: {  	[tilespmem:s30], [sflag:$0x1] =	stream.indirect_vreg.gather [hbm4b:s5+s2], $0x80, v4, vm0, $0xb8;
	[tilespmem:$0x10080] =	vst v63  }
0x38: {  	_ = 	snop  }
0x39: {  	[tilespmem:s31], [sflag:$0x1] =	stream.indirect_vreg.gather [hbm4b:s6+s2], $0x80, v4, vm0, $0xb8;
	[tilespmem:$0x10080] =	vst v63  }
0x3a: {  	s0 =	simm.s32 $0x6000  }
0x3b: {  	[tilespmem:s0], [sflag:$0x1] =	stream.indirect_vreg.gather [hbm4b:s3+s2], $0x80, v3, vm0, $0xb8;
	[tilespmem:$0x10080] =	vst v63  }
0x3c: {  	_ = 	snop  }
0x3d: {  	[tilespmem:s1], [sflag:$0x1] =	stream.indirect_vreg.gather [hbm4b:s4+s2], $0x80, v3, vm0, $0xb8;
	[tilespmem:$0x10080] =	vst v63  }
0x3e: {  	_ = 	snop  }
0x3f: {  	[tilespmem:s8], [sflag:$0x1] =	stream.indirect_vreg.gather [hbm4b:s5+s2], $0x80, v3, vm0, $0xb8;
	[tilespmem:$0x10080] =	vst v63  }
0x40: {  	_ = 	snop  }
0x41: {  	[tilespmem:s10], [sflag:$0x1] =	stream.indirect_vreg.gather [hbm4b:s6+s2], $0x80, v3, vm0, $0xb8;
	[tilespmem:$0x10080] =	vst v63  }
0x42: {  	v3 =	vld [tilespmem:$0x10020];
	_ =	sdelay $0x4  }
0x43: {  	v58 =	vshll.u32 v3, $0x3  }
0x44: {  	v3 =	vand.u32 $0x7, v3;
	v4 =	vand.u32 $0xFFFFFFC0, v58  }
0x45: {  	v3 =	vor.u32 v3, v4  }
0x46: {  	v4 =	vperm.xlane v3, v0;
	_ =	sdelay $0x1  }
0x47: {  	v4 =	vadd.s32 v1, v4;
	_ =	sdelay $0x4  }
0x48: {  	[tilespmem:s11], [sflag:$0x1] =	stream.indirect_vreg.gather [hbm4b:s3+s2], $0x80, v4, vm0, $0xb8;
	[tilespmem:$0x10080] =	vst v63  }
0x49: {  	v3 =	vperm.xlane v3, v2  }
0x4a: {  	[tilespmem:s12], [sflag:$0x1] =	stream.indirect_vreg.gather [hbm4b:s4+s2], $0x80, v4, vm0, $0xb8;
	[tilespmem:$0x10080] =	vst v63  }
0x4b: {  	v3 =	vadd.s32 v1, v3  }
0x4c: {  	[tilespmem:s13], [sflag:$0x1] =	stream.indirect_vreg.gather [hbm4b:s5+s2], $0x80, v4, vm0, $0xb8;
	[tilespmem:$0x10080] =	vst v63  }
0x4d: {  	_ = 	snop  }
0x4e: {  	[tilespmem:s14], [sflag:$0x1] =	stream.indirect_vreg.gather [hbm4b:s6+s2], $0x80, v4, vm0, $0xb8;
	[tilespmem:$0x10080] =	vst v63  }
0x4f: {  	_ = 	snop  }
0x50: {  	[tilespmem:s15], [sflag:$0x1] =	stream.indirect_vreg.gather [hbm4b:s3+s2], $0x80, v3, vm0, $0xb8;
	[tilespmem:$0x10080] =	vst v63  }
0x51: {  	_ = 	snop  }
0x52: {  	[tilespmem:s16], [sflag:$0x1] =	stream.indirect_vreg.gather [hbm4b:s4+s2], $0x80, v3, vm0, $0xb8;
	[tilespmem:$0x10080] =	vst v63  }
0x53: {  	s18 =	simm.s32 $0xB000  }
0x54: {  	[tilespmem:s18], [sflag:$0x1] =	stream.indirect_vreg.gather [hbm4b:s5+s2], $0x80, v3, vm0, $0xb8;
	[tilespmem:$0x10080] =	vst v63  }
0x55: {  	s18 =	simm.s32 $0xB800  }
0x56: {  	[tilespmem:s18], [sflag:$0x1] =	stream.indirect_vreg.gather [hbm4b:s6+s2], $0x80, v3, vm0, $0xb8;
	[tilespmem:$0x10080] =	vst v63  }
0x57: {  	v3 =	vld [tilespmem:$0x10030];
	_ =	sdelay $0x4  }
0x58: {  	v59 =	vshll.u32 v3, $0x3  }
0x59: {  	v3 =	vand.u32 $0x7, v3;
	v4 =	vand.u32 $0xFFFFFFC0, v59  }
0x5a: {  	v3 =	vor.u32 v3, v4  }
0x5b: {  	v4 =	vperm.xlane v3, v0;
	_ =	sdelay $0x1  }
0x5c: {  	v4 =	vadd.s32 v1, v4;
	_ =	sdelay $0x3  }
0x5d: {  	s18 =	simm.s32 $0xC000  }
0x5e: {  	[tilespmem:s18], [sflag:$0x1] =	stream.indirect_vreg.gather [hbm4b:s3+s2], $0x80, v4, vm0, $0xb8;
	[tilespmem:$0x10080] =	vst v63  }
0x5f: {  	v3 =	vperm.xlane v3, v2;
	s18 =	simm.s32 $0xC800  }
0x60: {  	[tilespmem:s18], [sflag:$0x1] =	stream.indirect_vreg.gather [hbm4b:s4+s2], $0x80, v4, vm0, $0xb8;
	[tilespmem:$0x10080] =	vst v63  }
0x61: {  	v3 =	vadd.s32 v1, v3;
	s18 =	simm.s32 $0xD000  }
0x62: {  	[tilespmem:s18], [sflag:$0x1] =	stream.indirect_vreg.gather [hbm4b:s5+s2], $0x80, v4, vm0, $0xb8;
	[tilespmem:$0x10080] =	vst v63  }
0x63: {  	s18 =	simm.s32 $0xD800  }
0x64: {  	[tilespmem:s18], [sflag:$0x1] =	stream.indirect_vreg.gather [hbm4b:s6+s2], $0x80, v4, vm0, $0xb8;
	[tilespmem:$0x10080] =	vst v63  }
0x65: {  	s18 =	simm.s32 $0xE000  }
0x66: {  	[tilespmem:s18], [sflag:$0x1] =	stream.indirect_vreg.gather [hbm4b:s3+s2], $0x80, v3, vm0, $0xb8;
	[tilespmem:$0x10080] =	vst v63  }
0x67: {  	s18 =	simm.s32 $0xE800  }
0x68: {  	[tilespmem:s18], [sflag:$0x1] =	stream.indirect_vreg.gather [hbm4b:s4+s2], $0x80, v3, vm0, $0xb8;
	[tilespmem:$0x10080] =	vst v63  }
0x69: {  	s18 =	simm.s32 $0xF000  }
0x6a: {  	[tilespmem:s18], [sflag:$0x1] =	stream.indirect_vreg.gather [hbm4b:s5+s2], $0x80, v3, vm0, $0xb8;
	[tilespmem:$0x10080] =	vst v63  }
0x6b: {  	s18 =	simm.s32 $0xF800  }
0x6c: {  	[tilespmem:s18], [sflag:$0x1] =	stream.indirect_vreg.gather [hbm4b:s6+s2], $0x80, v3, vm0, $0xb8;
	[tilespmem:$0x10080] =	vst v63  }
0x6d: {  	_ =	swait.ge [sflag:s17], $0x10000  }
0x6e: {  	[sflag:s17] =	ssyncset.done $0x0  }
0x6f: {  	s18 =	rddreg [dreg:$0x3];
	[sflag:s17] =	ssyncadd.s32 $0xFFFF0000  }
0x70: {  	[hbm4b:s18+s2] =	stream.linear.scatter [tilespmem:s2], [sflag:$0x2], $0x10000, $0x38;
	[tilespmem:$0x10080] =	vst v63  }
0x71: {  	_ =	swait.ge [sflag:s9], $0x10000  }
0x72: {  	[sflag:s9] =	ssyncset.done $0x0  }
0x73: {  	s18 =	rddreg [dreg:$0x4];
	[sflag:s9] =	ssyncadd.s32 $0xFFFF0000  }
0x74: {  	[tilespmem:s19], [sflag:$0x2] =	stream.linear.gather [hbm4b:s18+s2], $0x40, $0x38;
	[tilespmem:$0x10080] =	vst v63  }
0x75: {  	_ =	swait.ge [sflag:s9], $0x40  }
0x76: {  	[sflag:s9] =	ssyncset.done $0x0  }
0x77: {  	[sflag:s9] =	ssyncadd.s32 $0xFFFFFFC0  }
0x78: {  	v3 =	vld [tilespmem:$0x10000];
	_ =	sdelay $0x4  }
0x79: {  	v60 =	vshll.u32 v3, $0x3  }
0x7a: {  	v3 =	vand.u32 $0x7, v3;
	v4 =	vand.u32 $0xFFFFFFC0, v60  }
0x7b: {  	v3 =	vor.u32 v3, v4  }
0x7c: {  	v4 =	vperm.xlane v3, v0;
	_ =	sdelay $0x1  }
0x7d: {  	v4 =	vadd.s32 v1, v4;
	_ =	sdelay $0x4  }
0x7e: {  	[tilespmem:s2], [sflag:$0x1] =	stream.indirect_vreg.gather [hbm4b:s3+s2], $0x80, v4, vm0, $0xb8;
	[tilespmem:$0x10080] =	vst v63  }
0x7f: {  	v3 =	vperm.xlane v3, v2  }
0x80: {  	[tilespmem:s20], [sflag:$0x1] =	stream.indirect_vreg.gather [hbm4b:s4+s2], $0x80, v4, vm0, $0xb8;
	[tilespmem:$0x10080] =	vst v63  }
0x81: {  	v3 =	vadd.s32 v1, v3  }
0x82: {  	[tilespmem:s21], [sflag:$0x1] =	stream.indirect_vreg.gather [hbm4b:s5+s2], $0x80, v4, vm0, $0xb8;
	[tilespmem:$0x10080] =	vst v63  }
0x83: {  	_ = 	snop  }
0x84: {  	[tilespmem:s22], [sflag:$0x1] =	stream.indirect_vreg.gather [hbm4b:s6+s2], $0x80, v4, vm0, $0xb8;
	[tilespmem:$0x10080] =	vst v63  }
0x85: {  	_ = 	snop  }
0x86: {  	[tilespmem:s23], [sflag:$0x1] =	stream.indirect_vreg.gather [hbm4b:s3+s2], $0x80, v3, vm0, $0xb8;
	[tilespmem:$0x10080] =	vst v63  }
0x87: {  	_ = 	snop  }
0x88: {  	[tilespmem:s24], [sflag:$0x1] =	stream.indirect_vreg.gather [hbm4b:s4+s2], $0x80, v3, vm0, $0xb8;
	[tilespmem:$0x10080] =	vst v63  }
0x89: {  	_ = 	snop  }
0x8a: {  	[tilespmem:s25], [sflag:$0x1] =	stream.indirect_vreg.gather [hbm4b:s5+s2], $0x80, v3, vm0, $0xb8;
	[tilespmem:$0x10080] =	vst v63  }
0x8b: {  	_ = 	snop  }
0x8c: {  	[tilespmem:s26], [sflag:$0x1] =	stream.indirect_vreg.gather [hbm4b:s6+s2], $0x80, v3, vm0, $0xb8;
	[tilespmem:$0x10080] =	vst v63  }
0x8d: {  	v3 =	vld [tilespmem:$0x10010];
	_ =	sdelay $0x4  }
0x8e: {  	v61 =	vshll.u32 v3, $0x3  }
0x8f: {  	v3 =	vand.u32 $0x7, v3;
	v4 =	vand.u32 $0xFFFFFFC0, v61  }
0x90: {  	v3 =	vor.u32 v3, v4  }
0x91: {  	v4 =	vperm.xlane v3, v0;
	_ =	sdelay $0x1  }
0x92: {  	v4 =	vadd.s32 v1, v4;
	_ =	sdelay $0x4  }
0x93: {  	[tilespmem:s28], [sflag:$0x1] =	stream.indirect_vreg.gather [hbm4b:s3+s2], $0x80, v4, vm0, $0xb8;
	[tilespmem:$0x10080] =	vst v63  }
0x94: {  	v3 =	vperm.xlane v3, v2  }
0x95: {  	[tilespmem:s29], [sflag:$0x1] =	stream.indirect_vreg.gather [hbm4b:s4+s2], $0x80, v4, vm0, $0xb8;
	[tilespmem:$0x10080] =	vst v63  }
0x96: {  	v3 =	vadd.s32 v1, v3  }
0x97: {  	[tilespmem:s30], [sflag:$0x1] =	stream.indirect_vreg.gather [hbm4b:s5+s2], $0x80, v4, vm0, $0xb8;
	[tilespmem:$0x10080] =	vst v63  }
0x98: {  	_ = 	snop  }
0x99: {  	[tilespmem:s31], [sflag:$0x1] =	stream.indirect_vreg.gather [hbm4b:s6+s2], $0x80, v4, vm0, $0xb8;
	[tilespmem:$0x10080] =	vst v63  }
0x9a: {  	_ = 	snop  }
0x9b: {  	[tilespmem:s0], [sflag:$0x1] =	stream.indirect_vreg.gather [hbm4b:s3+s2], $0x80, v3, vm0, $0xb8;
	[tilespmem:$0x10080] =	vst v63  }
0x9c: {  	_ = 	snop  }
0x9d: {  	[tilespmem:s1], [sflag:$0x1] =	stream.indirect_vreg.gather [hbm4b:s4+s2], $0x80, v3, vm0, $0xb8;
	[tilespmem:$0x10080] =	vst v63  }
0x9e: {  	_ = 	snop  }
0x9f: {  	[tilespmem:s8], [sflag:$0x1] =	stream.indirect_vreg.gather [hbm4b:s5+s2], $0x80, v3, vm0, $0xb8;
	[tilespmem:$0x10080] =	vst v63  }
0xa0: {  	_ = 	snop  }
0xa1: {  	[tilespmem:s10], [sflag:$0x1] =	stream.indirect_vreg.gather [hbm4b:s6+s2], $0x80, v3, vm0, $0xb8;
	[tilespmem:$0x10080] =	vst v63  }
0xa2: {  	v3 =	vld [tilespmem:$0x10020];
	_ =	sdelay $0x4  }
0xa3: {  	v62 =	vshll.u32 v3, $0x3  }
0xa4: {  	v3 =	vand.u32 $0x7, v3;
	v4 =	vand.u32 $0xFFFFFFC0, v62  }
0xa5: {  	v3 =	vor.u32 v3, v4  }
0xa6: {  	v4 =	vperm.xlane v3, v0;
	_ =	sdelay $0x1  }
0xa7: {  	v4 =	vadd.s32 v1, v4;
	_ =	sdelay $0x4  }
0xa8: {  	[tilespmem:s11], [sflag:$0x1] =	stream.indirect_vreg.gather [hbm4b:s3+s2], $0x80, v4, vm0, $0xb8;
	[tilespmem:$0x10080] =	vst v63  }
0xa9: {  	v3 =	vperm.xlane v3, v2  }
0xaa: {  	[tilespmem:s12], [sflag:$0x1] =	stream.indirect_vreg.gather [hbm4b:s4+s2], $0x80, v4, vm0, $0xb8;
	[tilespmem:$0x10080] =	vst v63  }
0xab: {  	v3 =	vadd.s32 v1, v3  }
0xac: {  	[tilespmem:s13], [sflag:$0x1] =	stream.indirect_vreg.gather [hbm4b:s5+s2], $0x80, v4, vm0, $0xb8;
	[tilespmem:$0x10080] =	vst v63  }
0xad: {  	_ = 	snop  }
0xae: {  	[tilespmem:s14], [sflag:$0x1] =	stream.indirect_vreg.gather [hbm4b:s6+s2], $0x80, v4, vm0, $0xb8;
	[tilespmem:$0x10080] =	vst v63  }
0xaf: {  	_ = 	snop  }
0xb0: {  	[tilespmem:s15], [sflag:$0x1] =	stream.indirect_vreg.gather [hbm4b:s3+s2], $0x80, v3, vm0, $0xb8;
	[tilespmem:$0x10080] =	vst v63  }
0xb1: {  	_ = 	snop  }
0xb2: {  	[tilespmem:s16], [sflag:$0x1] =	stream.indirect_vreg.gather [hbm4b:s4+s2], $0x80, v3, vm0, $0xb8;
	[tilespmem:$0x10080] =	vst v63  }
0xb3: {  	s18 =	simm.s32 $0xB000  }
0xb4: {  	[tilespmem:s18], [sflag:$0x1] =	stream.indirect_vreg.gather [hbm4b:s5+s2], $0x80, v3, vm0, $0xb8;
	[tilespmem:$0x10080] =	vst v63  }
0xb5: {  	s18 =	simm.s32 $0xB800  }
0xb6: {  	[tilespmem:s18], [sflag:$0x1] =	stream.indirect_vreg.gather [hbm4b:s6+s2], $0x80, v3, vm0, $0xb8;
	[tilespmem:$0x10080] =	vst v63  }
0xb7: {  	v3 =	vld [tilespmem:$0x10030];
	_ =	sdelay $0x4  }
0xb8: {  	v63 =	vshll.u32 v3, $0x3  }
0xb9: {  	v3 =	vand.u32 $0x7, v3;
	v4 =	vand.u32 $0xFFFFFFC0, v63  }
0xba: {  	v3 =	vor.u32 v3, v4  }
0xbb: {  	v4 =	vperm.xlane v3, v0;
	_ =	sdelay $0x1  }
0xbc: {  	v4 =	vadd.s32 v1, v4;
	_ =	sdelay $0x3  }
0xbd: {  	s18 =	simm.s32 $0xC000  }
0xbe: {  	[tilespmem:s18], [sflag:$0x1] =	stream.indirect_vreg.gather [hbm4b:s3+s2], $0x80, v4, vm0, $0xb8;
	[tilespmem:$0x10080] =	vst v63  }
0xbf: {  	v3 =	vperm.xlane v3, v2;
	s18 =	simm.s32 $0xC800  }
0xc0: {  	[tilespmem:s18], [sflag:$0x1] =	stream.indirect_vreg.gather [hbm4b:s4+s2], $0x80, v4, vm0, $0xb8;
	[tilespmem:$0x10080] =	vst v63  }
0xc1: {  	v3 =	vadd.s32 v1, v3;
	s18 =	simm.s32 $0xD000  }
0xc2: {  	[tilespmem:s18], [sflag:$0x1] =	stream.indirect_vreg.gather [hbm4b:s5+s2], $0x80, v4, vm0, $0xb8;
	[tilespmem:$0x10080] =	vst v63  }
0xc3: {  	s18 =	simm.s32 $0xD800  }
0xc4: {  	[tilespmem:s18], [sflag:$0x1] =	stream.indirect_vreg.gather [hbm4b:s6+s2], $0x80, v4, vm0, $0xb8;
	[tilespmem:$0x10080] =	vst v63  }
0xc5: {  	s18 =	simm.s32 $0xE000  }
0xc6: {  	[tilespmem:s18], [sflag:$0x1] =	stream.indirect_vreg.gather [hbm4b:s3+s2], $0x80, v3, vm0, $0xb8;
	[tilespmem:$0x10080] =	vst v63  }
0xc7: {  	s18 =	simm.s32 $0xE800  }
0xc8: {  	[tilespmem:s18], [sflag:$0x1] =	stream.indirect_vreg.gather [hbm4b:s4+s2], $0x80, v3, vm0, $0xb8;
	[tilespmem:$0x10080] =	vst v63  }
0xc9: {  	s18 =	simm.s32 $0xF000  }
0xca: {  	[tilespmem:s18], [sflag:$0x1] =	stream.indirect_vreg.gather [hbm4b:s5+s2], $0x80, v3, vm0, $0xb8;
	[tilespmem:$0x10080] =	vst v63  }
0xcb: {  	s18 =	simm.s32 $0xF800  }
0xcc: {  	[tilespmem:s18], [sflag:$0x1] =	stream.indirect_vreg.gather [hbm4b:s6+s2], $0x80, v3, vm0, $0xb8;
	[tilespmem:$0x10080] =	vst v63  }
0xcd: {  	_ =	swait.ge [sflag:s17], $0x10000  }
0xce: {  	p0 =	sne.s32 s7, $0x1;
	[sflag:s17] =	ssyncset.done $0x0  }
.Ltmp0:
0xcf: {  	s0 =	rddreg [dreg:$0x5];
	[sflag:s17] =	ssyncadd.s32 $0xFFFF0000;
	(pc) =	sbr.rel @p0 .LBB2_1-.Ltmp0, $4  }
0xd0: {  	[hbm4b:s0+s2] =	stream.linear.scatter [tilespmem:s2], [sflag:$0x2], $0x10000, $0x38;
	[tilespmem:$0x10080] =	vst v63  }
0xd1: {  	_ =	swait.ge [sflag:s9], $0x10000  }
0xd2: {  	[sflag:s9] =	ssyncset.done $0x0  }
0xd3: {  	s7 =	sadd.s32 $0xFFFFFFFF, s7;
	[sflag:s9] =	ssyncadd.s32 $0xFFFF0000  }
0xd4: {  	_ =	sfence.sel $0x180000  }
0xd5: {  	[bflag:$0x0] =	sbarrier.arrive $0xFFFF  }
0xd6: {  	_ =	strace $0x9000004A  }
0xd7: {  	s0 =	stileid.u32;
	[bflag:$0x2] =	sbarrier.arrive $0xFFFF  }
0xd8: {  	p0 =	sne.s32 s0, $0x0;
	s0 =	rddreg [dreg:$0x1]  }
0xd9: {  	s0 =	sadd.s32 @!p0 $0x100000, s0  }
0xda: {  	[sflag:s0] =	ssyncadd.tile.s32 @!p0 $0x1;
	_ =	shalt  }
.Lfunc_end2:
_tile_overlayer_lowered:
.L_overlay_start_2:
0xdb: {  	(tag) =	ssettag $0x2  }
0xdc: {  	s0 =	rddreg [dreg:$0x0];
	s2 =	stileid.u32  }
0xdd: {  	s1 =	rddreg [dreg:$0x1];
	p0 =	sne.s32 s2, $0x0  }
0xde: {  	s3 =	rddreg [dreg:$0x2];
	[bflag:$0x3] =	sbarrier.arrive $0xFFFF;
	s2 =	simm.s32 @!p0 $0x1C02  }
0xdf: {  	[timem:s3], [sflag:s2] =	dma.local @!p0 [hbm:s0], s1  }
0xe0: {  	s0 =	simm.s32 @!p0 $0x2  }
0xe1: {  	_ =	swait.ge @!p0 [sflag:s0], s1  }
0xe2: {  	s1 =	ssub.s32 @!p0 $0x0, s1;
	[sflag:s0] =	ssyncset.done @!p0 $0x0  }
0xe3: {  	[sflag:s0] =	ssyncadd.s32 @!p0 s1  }
0xe4: {  	[bflag:$0x3] =	sbarrier.arrive $0xFFFF  }
0xe5: {  	_ =	shalt  }

// kernel: kernel.9.cloned.1.call-start
scs
__scs_entry_jumppad:
0x0: {  	(pc) =	sbr.rel $0x88, $3  }
0x1: {  	(tag) =	ssettag $0x0;
	lr =	simm.s32 $0x1  }
0x2: {  	[smem:$0x3F95] =	sst lr;
	_ =	strace $0xD0000000  }
0x3: {  	_ = 	snop  }
0x4: {  	_ = 	snop  }
0x5: {  	_ = 	snop  }
0x6: {  	_ = 	snop  }
0x7: {  	_ = 	snop  }
__scs_overlays_trampoline_lowered:
0x8: {  	[smem:$0x3FA4] =	sst s0  }
0x9: {  	[smem:$0x3FA5] =	sst s1  }
0xa: {  	[smem:$0x3FA6] =	sst s2  }
0xb: {  	[smem:$0x3FA7] =	sst s3  }
0xc: {  	[smem:$0x3FA8] =	sst s4  }
0xd: {  	[smem:$0x3FA9] =	sst s5  }
0xe: {  	[smem:$0x3FAA] =	sst s6  }
0xf: {  	[smem:$0x3FAB] =	sst s7  }
0x10: {  	[smem:$0x3FAC] =	sst s8  }
0x11: {  	[smem:$0x3FAD] =	sst s9;
	s0 =	simm.s32 @!p0 $0x0  }
0x12: {  	s1 =	sld [smem:$0x3F93];
	s0 =	simm.s32 @p0 $0x1  }
0x13: {  	[smem:$0x3FAE] =	sst s0;
	s0 =	simm.s32 @!p1 $0x0  }
0x14: {  	s2 =	sld [smem:$0x3F92];
	s0 =	simm.s32 @p1 $0x1  }
0x15: {  	[smem:$0x3FAF] =	sst s0;
	s0 =	simm.s32 @!p2 $0x0  }
0x16: {  	s3 =	sld [smem:$0x3FDB];
	s0 =	simm.s32 @p2 $0x1  }
0x17: {  	s4 =	simm.s32 $0x1BF5;
	[smem:$0x3FB1] =	sst s0  }
0x18: {  	s0 =	sld [smem:$0x3F94];
	_ =	swait.ge [sflag:s4], $0x0  }
0x19: {  	s7 =	sld [smem:$0x3F95]  }
0x1a: {  	s8 =	sadd.s32 $0xFFFFE003, lr  }
0x1b: {  	s9 =	sadd.s32 $0xFFFFFEF7, lr;
	s5 =	simm.s32 $0xFFFFFFFF;
	p2 =	slt.u32 s8, $0xFFFFF086  }
0x1c: {  	p1 =	slt.u32 s9, $0xF7A;
	s5 =	simm.s32 @!p2 $0x0  }
0x1d: {  	s5 =	simm.s32 @p1 $0x1;
	p0 =	seq.s32 s7, s2  }
0x1e: {  	s7 =	smul.u32 @!p0 $0xF7A, s2;
	p2 =	seq.s32 @!p0 s5, $0x0  }
0x1f: {  	s9 =	smul.u32 $0xF7A, s1;
	s8 =	simm.s32 @!p0 $0x1BF5;
	p2 =	por !p2, p0  }
0x20: {  	[sflag:s8] =	ssyncset.s32 @!p0 $0xFFFFF086;
	s6 =	sadd.s32 @!p0 s3, s7;
	s7 =	simm.s32 @!p0 $0x108  }
0x21: {  	s3 =	sadd.s32 s3, s9;
	s6 =	sadd.s32 @!p0 $0x88, s6;
	s7 =	simm.s32 @p2 $0x1082  }
0x22: {  	[simem:s7], [sflag:s8] =	dma.local @!p0 [hbm:s6], $0xF7A  }
0x23: {  	s9 =	sor.u32 $0xD0000000, s2;
	s6 =	simm.s32 $0x108;
	_ =	swait.ge @!p0 [sflag:s8], $0x0  }
0x24: {  	s3 =	sadd.s32 $0x88, s3;
	s6 =	simm.s32 @!p1 $0x1082;
	[sflag:s4] =	ssyncset.s32 $0xFFFFF086  }
0x25: {  	[simem:s6], [sflag:s4] =	dma.local [hbm:s3], $0xF7A  }
0x26: {  	[smem:$0x3F95] =	sst s1;
	(tag) =	ssettag s2;
	_ =	strace s9  }
0x27: {  	s1 =	sld [smem:$0x3FA5]  }
0x28: {  	s2 =	sld [smem:$0x3FA6]  }
0x29: {  	s4 =	sld [smem:$0x3FA8]  }
0x2a: {  	p0 =	seq.s32 s5, $0x0;
	s5 =	sld [smem:$0x3FA9]  }
0x2b: {  	s6 =	sld [smem:$0x3FAA]  }
0x2c: {  	s7 =	sld [smem:$0x3FAB]  }
0x2d: {  	s3 =	simm.s32 $0x108;
	s8 =	sld [smem:$0x3FAC]  }
0x2e: {  	s3 =	simm.s32 @!p0 $0x1082;
	s9 =	sld [smem:$0x3FAD]  }
0x2f: {  	lr =	sadd.s32 s0, s3;
	s0 =	sld [smem:$0x3FA4]  }
0x30: {  	s3 =	sld [smem:$0x3FA7]  }
0x31: {  	[smem:$0x3FB0] =	sst s10  }
0x32: {  	s10 =	sld [smem:$0x3FAE];
	_ =	sdelay $0x3  }
0x33: {  	p0 =	seq.s32 s10, $0x1;
	s10 =	sld [smem:$0x3FB0];
	_ =	sdelay $0x3  }
0x34: {  	[smem:$0x3FB0] =	sst s10  }
0x35: {  	s10 =	sld [smem:$0x3FAF];
	_ =	sdelay $0x3  }
0x36: {  	p1 =	seq.s32 s10, $0x1;
	s10 =	sld [smem:$0x3FB0];
	_ =	sdelay $0x3  }
0x37: {  	[smem:$0x3FB0] =	sst s10  }
0x38: {  	s10 =	sld [smem:$0x3FB1]  }
0x39: {  	_ = 	snop;
	(pc) =	sbr.ind lr, $3  }
0x3a: {  	_ = 	snop  }
0x3b: {  	_ = 	snop  }
0x3c: {  	p2 =	seq.s32 s10, $0x1;
	s10 =	sld [smem:$0x3FB0]  }
0x3d: {  	_ =	shalt  }
0x3e: {  	_ =	shalt  }
0x3f: {  	_ =	shalt  }
0x40: {  	_ =	shalt  }
0x41: {  	_ =	shalt  }
0x42: {  	_ =	shalt  }
0x43: {  	_ =	shalt  }
0x44: {  	_ =	shalt  }
0x45: {  	_ =	shalt  }
0x46: {  	_ =	shalt  }
0x47: {  	_ =	shalt  }
0x48: {  	_ =	shalt  }
0x49: {  	_ =	shalt  }
0x4a: {  	_ =	shalt  }
0x4b: {  	_ =	shalt  }
0x4c: {  	_ =	shalt  }
0x4d: {  	_ =	shalt  }
0x4e: {  	_ =	shalt  }
0x4f: {  	_ =	shalt  }
0x50: {  	_ =	shalt  }
0x51: {  	_ =	shalt  }
0x52: {  	_ =	shalt  }
0x53: {  	_ =	shalt  }
0x54: {  	_ =	shalt  }
0x55: {  	_ =	shalt  }
0x56: {  	_ =	shalt  }
0x57: {  	_ =	shalt  }
0x58: {  	_ =	shalt  }
0x59: {  	_ =	shalt  }
0x5a: {  	_ =	shalt  }
0x5b: {  	_ =	shalt  }
0x5c: {  	_ =	shalt  }
0x5d: {  	_ =	shalt  }
0x5e: {  	_ =	shalt  }
0x5f: {  	_ =	shalt  }
0x60: {  	_ =	shalt  }
0x61: {  	_ =	shalt  }
0x62: {  	_ =	shalt  }
0x63: {  	_ =	shalt  }
0x64: {  	_ =	shalt  }
0x65: {  	_ =	shalt  }
0x66: {  	_ =	shalt  }
0x67: {  	_ =	shalt  }
0x68: {  	_ =	shalt  }
0x69: {  	_ =	shalt  }
0x6a: {  	_ =	shalt  }
0x6b: {  	_ =	shalt  }
0x6c: {  	_ =	shalt  }
0x6d: {  	_ =	shalt  }
0x6e: {  	_ =	shalt  }
0x6f: {  	_ =	shalt  }
0x70: {  	_ =	shalt  }
0x71: {  	_ =	shalt  }
0x72: {  	_ =	shalt  }
0x73: {  	_ =	shalt  }
0x74: {  	_ =	shalt  }
0x75: {  	_ =	shalt  }
0x76: {  	_ =	shalt  }
0x77: {  	_ =	shalt  }
0x78: {  	_ =	shalt  }
0x79: {  	_ =	shalt  }
0x7a: {  	_ =	shalt  }
0x7b: {  	_ =	shalt  }
0x7c: {  	_ =	shalt  }
0x7d: {  	_ =	shalt  }
0x7e: {  	_ =	shalt  }
0x7f: {  	_ =	shalt  }
0x80: {  	_ =	shalt  }
0x81: {  	_ =	shalt  }
0x82: {  	_ =	shalt  }
0x83: {  	_ =	shalt  }
0x84: {  	_ =	shalt  }
0x85: {  	_ =	shalt  }
0x86: {  	_ =	shalt  }
0x87: {  	_ =	shalt  }
.Lfunc_end0:
.L_simem_size_0:
called_computation_lowered:
.L_overlay_start_0:
0x88: {  	s2 =	sld [smem:$0x3FD9]  }
0x89: {  	s3 =	sld [smem:$0x3FFE];
	_ =	sdelay $0x1  }
0x8a: {  	s1 =	srdreg.scid  }
0x8b: {  	s0 =	sand.u32 $0x1, s1  }
0x8c: {  	s16 =	sshll.u32 s0, $0xA;
	s2 =	sadd.s32 s3, s2  }
0x8d: {  	s2 =	sadd.s32 s2, s16  }
0x8e: {  	[smem:$0x3FBC] =	sst s2  }
0x8f: {  	_ = 	snop  }
0x90: {  	(tm) =	ssettm $0x1  }
0x91: {  	s17 =	sld [smem:$0x3FFB];
	_ =	sdelay $0x3  }
0x92: {  	_ =	strace s17  }
0x93: {  	s2 =	sld [smem:$0x3FFC];
	_ =	sdelay $0x3  }
0x94: {  	_ =	strace s2  }
0x95: {  	s2 =	sld [smem:$0x3FFD];
	_ =	sdelay $0x3  }
0x96: {  	_ =	strace s2  }
0x97: {  	_ =	strace $0x8FFFFFFF  }
0x98: {  	s18 =	sld [smem:$0x3FDB];
	_ =	sdelay $0x1  }
0x99: {  	s19 =	simm.s32 $_scs_section_size  }
0x9a: {  	s4 =	simm.s32 $_size__tile_overlayer_lowered;
	s5 =	simm.s32 $_tile_overlayer_lowered  }
0x9b: {  	s22 =	simm.s32 $0x1BFF;
	s21 =	sshll.u32 s5, $0x1;
	s2 =	sadd.s32 s19, s18  }
0x9c: {  	s6 =	simm.s32 $0x0;
	s20 =	sshll.u32 s4, $0x1;
	s4 =	sadd.s32 s21, s2  }
0x9d: {  	[timem:s6], [sflag:s22] =	dma.local [hbm:s4], s20  }
0x9e: {  	_ =	swait.ge [sflag:s22], s20  }
0x9f: {  	s3 =	ssub.s32 $0x0, s20;
	[sflag:s22] =	ssyncset.done $0x0  }
0xa0: {  	[sflag:s22] =	ssyncadd.s32 s3;
	_ =	sdelay $0x1  }
0xa1: {  	s23 =	simm.s32 $0x1B8B  }
0xa2: {  	_ =	swait.ge [sflag:s23], $0x1  }
0xa3: {  	[sflag:s23] =	ssyncset.done $0x0  }
0xa4: {  	s25 =	simm.s32 $0x1B8E;
	s24 =	sld [smem:$0x3FFE];
	[sflag:s23] =	ssyncadd.s32 $0xFFFFFFFF  }
0xa5: {  	s26 =	simm.s32 $execute0_lowered;
	[smem:$0x3FD2] =	sst s25  }
0xa6: {  	s4 =	sshll.u32 s26, $0x1;
	_ =	strace $0x80000046;
	[dreg:$0x1] =	wrdreg $0xFFFFFFFF  }
0xa7: {  	s28 =	simm.s32 $_size_execute0_lowered;
	s2 =	sadd.s32 s2, s4;
	[dreg:$0x0] =	wrdreg $0x0  }
0xa8: {  	s4 =	sshll.u32 s28, $0x1;
	[dreg:$0x2] =	wrdreg s2  }
0xa9: {  	[dreg:$0x3] =	wrdreg s4  }
0xaa: {  	[dreg:$0x4] =	wrdreg $0xC0  }
0xab: {  	_ =	task [dreg:s6], $0x5FFFF  }
0xac: {  	[dreg:$0x1] =	wrdreg $0xFFFFFFFF  }
0xad: {  	[dreg:$0x0] =	wrdreg $0x60  }
0xae: {  	[dreg:$0x2] =	wrdreg s24  }
0xaf: {  	[dreg:$0x3] =	wrdreg $0x9  }
0xb0: {  	_ =	task.clear_ibuf [dreg:s6], $0x4FFFF;
	_ =	strace $0x90000046  }
0xb1: {  	s29 =	simm.s32 $0x9;
	_ =	strace $0x80000048  }
0xb2: {  	_ =	swait.ge [sflag:s29], $0x1  }
0xb3: {  	[sflag:s29] =	ssyncadd.s32 $0xFFFFFFFF  }
0xb4: {  	_ =	strace $0x90000048  }
0xb5: {  	_ =	sfence  }
0xb6: {  	s30 =	sld [smem:$0x0];
	_ =	sdelay $0x2  }
0xb7: {  	s31 =	sshll.u32 s1, $0xD;
	s1 =	sshrl.u32 s1, $0x2  }
0xb8: {  	s3 =	sand.u32 $0x4000, s31;
	s1 =	sadd.s32 s1, s30  }
0xb9: {  	s0 =	sor.u32 s3, s0;
	s1 =	sshll.u32 s1, $0x11  }
0xba: {  	s0 =	sor.u32 s1, s0  }
0xbb: {  	s0 =	sadd.s32 $0x8F2B, s0  }
0xbc: {  	[sflag:s0] =	ssyncadd.remote.s32 $0x1  }
0xbd: {  	_ =	sfence.sel $0xFFFF  }
0xbe: {  	[dreg:$0x0] =	wrdreg $0xFFFFFFFF;
	(pc) =	sbr.abs _section_cstart, $3  }
0xbf: {  	[dreg:$0x1] =	wrdreg $0xFFFFFFFF  }
0xc0: {  	_ =	task.clear_ibuf [dreg:s6], $0x2FFFF;
	_ =	strace $0x9FFFFFFF  }
0xc1: {  	(tm) =	ssettm $0x7FFFFFFF  }
tec
execute0_lowered:
.L_overlay_start_1:
0x0: {  	(tag) =	ssettag $0x1  }
0x1: {  	s0 =	srdreg.scid;
	s2 =	stileid.u32  }
0x2: {  	s1 =	rddreg [dreg:$0x0];
	s25 =	simm.s32 $0x10000;
	s8 =	simm.s32 $0x2  }
0x3: {  	s26 =	simm.s32 $0x10080;
	s16 =	simm.s32 $0x1;
	s19 =	simm.s32 $0x1800  }
0x4: {  	s20 =	simm.s32 $0x2000;
	s21 =	simm.s32 $0x2800;
	s22 =	simm.s32 $0x3000  }
0x5: {  	s28 =	simm.s32 $0x5800;
	s29 =	simm.s32 $0x6000;
	s30 =	simm.s32 $0x6800  }
0x6: {  	s31 =	simm.s32 $0x7000;
	s9 =	simm.s32 $0x8800;
	s10 =	simm.s32 $0x9000  }
0x7: {  	s11 =	simm.s32 $0x9800;
	s12 =	simm.s32 $0xA000;
	s13 =	simm.s32 $0xA800  }
0x8: {  	s14 =	simm.s32 $0xB000;
	s15 =	simm.s32 $0xB800;
	s0 =	sand.u32 $0x1, s0  }
0x9: {  	s3 =	sshll.u32 s2, $0x7;
	s2 =	simm.s32 $0x0;
	s4 =	sshll.u32 s0, $0x6  }
0xa: {  	[smem:$0x7FF] =	sst s2;
	s0 =	ssub.s32 $0x2, s0;
	s3 =	sor.u32 s4, s3  }
0xb: {  	_ =	strace $0x80000047;
	s6 =	sshrl.u32 s0, $0x1;
	[dreg:$0x5] =	wrdreg s25  }
0xc: {  	[dreg:$0x6] =	wrdreg s26;
	s25 =	simm.s32 $0x4800;
	s4 =	sshll.u32 s3, $0x7  }
0xd: {  	s26 =	simm.s32 $0x5000;
	s3 =	sshrl.u32 s3, $0x3;
	s4 =	sadd.s32 s4, s1  }
0xe: {  	s0 =	ssub.s32 s0, s6;
	s5 =	sadd.s32 s3, s1;
	s4 =	sadd.s32 $0x1A00, s4  }
0xf: {  	s6 =	sadd.s32 $0x4A500, s1;
	s23 =	sadd.s32 $0x49C00, s5;
	[dreg:$0x2] =	wrdreg s4  }
0x10: {  	v2 =	vlaneseq.u32;
	s3 =	sadd.s32 $0x4A200, s1;
	s24 =	sadd.s32 $0x49A00, s5;
	[dreg:$0x3] =	wrdreg s23  }
0x11: {  	vm0 =	vmmov $0xffff;
	v1 =	vshrl.u32 v2, $0x3;
	s7 =	smax.u32 s0, $0x1;
	s5 =	sadd.s32 $0x4A400, s1;
	[dreg:$0x4] =	wrdreg s24  }
0x12: {  	v0 =	vand.u32 $0x7, v2;
	v2 =	vor.u32 $0x8, v2;
	v1 =	vmul.u32 $0x8, v1;
	s4 =	sadd.s32 $0x4A300, s1;
	s23 =	simm.s32 $0x3800;
	s24 =	simm.s32 $0x4000  }
.LBB2_1:
0x13: {  	s17 =	rddreg [dreg:$0x2]  }
0x14: {  	[tilespmem:s2], [sflag:$0x2] =	stream.linear.gather [hbm4b:s17+s2], $0x10000, $0x38;
	[tilespmem:$0x10100] =	vst v63  }
0x15: {  	_ =	swait.ge [sflag:s8], $0x10000  }
0x16: {  	s1 =	rddreg [dreg:$0x3];
	[sflag:s8] =	ssyncset.done $0x0  }
0x17: {  	s18 =	rddreg [dreg:$0x5];
	[sflag:s8] =	ssyncadd.s32 $0xFFFF0000  }
0x18: {  	[tilespmem:s18], [sflag:$0x2] =	stream.linear.gather [hbm4b:s1+s2], $0x40, $0x38;
	[tilespmem:$0x10100] =	vst v63  }
0x19: {  	_ =	swait.ge [sflag:s8], $0x40  }
0x1a: {  	s0 =	rddreg [dreg:$0x4];
	[sflag:s8] =	ssyncset.done $0x0  }
0x1b: {  	s1 =	rddreg [dreg:$0x6];
	[sflag:s8] =	ssyncadd.s32 $0xFFFFFFC0  }
0x1c: {  	[tilespmem:s1], [sflag:$0x2] =	stream.linear.gather [hbm4b:s0+s2], $0x40, $0x38;
	[tilespmem:$0x10100] =	vst v63  }
0x1d: {  	_ =	swait.ge [sflag:s8], $0x40  }
0x1e: {  	[sflag:s8] =	ssyncset.done $0x0  }
0x1f: {  	[sflag:s8] =	ssyncadd.s32 $0xFFFFFFC0  }
0x20: {  	v3 =	vld [tilespmem:$0x10000];
	_ =	sdelay $0x4  }
0x21: {  	v4 =	vshll.u32 v3, $0x3  }
0x22: {  	v3 =	vand.u32 $0x7, v3;
	v4 =	vand.u32 $0xFFFFFFC0, v4  }
0x23: {  	v3 =	vor.u32 v3, v4  }
0x24: {  	v4 =	vperm.xlane v3, v0;
	_ =	sdelay $0x1  }
0x25: {  	v4 =	vadd.s32 v1, v4;
	_ =	sdelay $0x4  }
0x26: {  	[hbm4b:s3+s2] =	stream.indirect_vreg.scatter [tilespmem:s2], [sflag:$0x1], $0x80, v4, vm0, $0xb8;
	[tilespmem:$0x10100] =	vst v63  }
0x27: {  	s17 =	simm.s32 $0x800;
	v3 =	vperm.xlane v3, v2  }
0x28: {  	[hbm4b:s4+s2] =	stream.indirect_vreg.scatter [tilespmem:s17], [sflag:$0x1], $0x80, v4, vm0, $0xb8;
	[tilespmem:$0x10100] =	vst v63  }
0x29: {  	s18 =	simm.s32 $0x1000;
	v3 =	vadd.s32 v1, v3  }
0x2a: {  	[hbm4b:s5+s2] =	stream.indirect_vreg.scatter [tilespmem:s18], [sflag:$0x1], $0x80, v4, vm0, $0xb8;
	[tilespmem:$0x10100] =	vst v63  }
0x2b: {  	_ = 	snop  }
0x2c: {  	[hbm4b:s6+s2] =	stream.indirect_vreg.scatter [tilespmem:s19], [sflag:$0x1], $0x80, v4, vm0, $0xb8;
	[tilespmem:$0x10100] =	vst v63  }
0x2d: {  	_ = 	snop  }
0x2e: {  	[hbm4b:s3+s2] =	stream.indirect_vreg.scatter [tilespmem:s20], [sflag:$0x1], $0x80, v3, vm0, $0xb8;
	[tilespmem:$0x10100] =	vst v63  }
0x2f: {  	_ = 	snop  }
0x30: {  	[hbm4b:s4+s2] =	stream.indirect_vreg.scatter [tilespmem:s21], [sflag:$0x1], $0x80, v3, vm0, $0xb8;
	[tilespmem:$0x10100] =	vst v63  }
0x31: {  	_ = 	snop  }
0x32: {  	[hbm4b:s5+s2] =	stream.indirect_vreg.scatter [tilespmem:s22], [sflag:$0x1], $0x80, v3, vm0, $0xb8;
	[tilespmem:$0x10100] =	vst v63  }
0x33: {  	_ = 	snop  }
0x34: {  	[hbm4b:s6+s2] =	stream.indirect_vreg.scatter [tilespmem:s23], [sflag:$0x1], $0x80, v3, vm0, $0xb8;
	[tilespmem:$0x10100] =	vst v63  }
0x35: {  	v3 =	vld [tilespmem:$0x10010];
	_ =	sdelay $0x4  }
0x36: {  	v57 =	vshll.u32 v3, $0x3  }
0x37: {  	v3 =	vand.u32 $0x7, v3;
	v4 =	vand.u32 $0xFFFFFFC0, v57  }
0x38: {  	v3 =	vor.u32 v3, v4  }
0x39: {  	v4 =	vperm.xlane v3, v0;
	_ =	sdelay $0x1  }
0x3a: {  	v4 =	vadd.s32 v1, v4;
	_ =	sdelay $0x4  }
0x3b: {  	[hbm4b:s3+s2] =	stream.indirect_vreg.scatter [tilespmem:s24], [sflag:$0x1], $0x80, v4, vm0, $0xb8;
	[tilespmem:$0x10100] =	vst v63  }
0x3c: {  	v3 =	vperm.xlane v3, v2  }
0x3d: {  	[hbm4b:s4+s2] =	stream.indirect_vreg.scatter [tilespmem:s25], [sflag:$0x1], $0x80, v4, vm0, $0xb8;
	[tilespmem:$0x10100] =	vst v63  }
0x3e: {  	v3 =	vadd.s32 v1, v3  }
0x3f: {  	[hbm4b:s5+s2] =	stream.indirect_vreg.scatter [tilespmem:s26], [sflag:$0x1], $0x80, v4, vm0, $0xb8;
	[tilespmem:$0x10100] =	vst v63  }
0x40: {  	_ = 	snop  }
0x41: {  	[hbm4b:s6+s2] =	stream.indirect_vreg.scatter [tilespmem:s28], [sflag:$0x1], $0x80, v4, vm0, $0xb8;
	[tilespmem:$0x10100] =	vst v63  }
0x42: {  	_ = 	snop  }
0x43: {  	[hbm4b:s3+s2] =	stream.indirect_vreg.scatter [tilespmem:s29], [sflag:$0x1], $0x80, v3, vm0, $0xb8;
	[tilespmem:$0x10100] =	vst v63  }
0x44: {  	_ = 	snop  }
0x45: {  	[hbm4b:s4+s2] =	stream.indirect_vreg.scatter [tilespmem:s30], [sflag:$0x1], $0x80, v3, vm0, $0xb8;
	[tilespmem:$0x10100] =	vst v63  }
0x46: {  	_ = 	snop  }
0x47: {  	[hbm4b:s5+s2] =	stream.indirect_vreg.scatter [tilespmem:s31], [sflag:$0x1], $0x80, v3, vm0, $0xb8;
	[tilespmem:$0x10100] =	vst v63  }
0x48: {  	s1 =	simm.s32 $0x7800  }
0x49: {  	[hbm4b:s6+s2] =	stream.indirect_vreg.scatter [tilespmem:s1], [sflag:$0x1], $0x80, v3, vm0, $0xb8;
	[tilespmem:$0x10100] =	vst v63  }
0x4a: {  	v3 =	vld [tilespmem:$0x10020];
	_ =	sdelay $0x4  }
0x4b: {  	v58 =	vshll.u32 v3, $0x3  }
0x4c: {  	v3 =	vand.u32 $0x7, v3;
	v4 =	vand.u32 $0xFFFFFFC0, v58  }
0x4d: {  	v3 =	vor.u32 v3, v4  }
0x4e: {  	v4 =	vperm.xlane v3, v0;
	_ =	sdelay $0x1  }
0x4f: {  	v4 =	vadd.s32 v1, v4;
	_ =	sdelay $0x3  }
0x50: {  	s0 =	simm.s32 $0x8000  }
0x51: {  	[hbm4b:s3+s2] =	stream.indirect_vreg.scatter [tilespmem:s0], [sflag:$0x1], $0x80, v4, vm0, $0xb8;
	[tilespmem:$0x10100] =	vst v63  }
0x52: {  	v3 =	vperm.xlane v3, v2  }
0x53: {  	[hbm4b:s4+s2] =	stream.indirect_vreg.scatter [tilespmem:s9], [sflag:$0x1], $0x80, v4, vm0, $0xb8;
	[tilespmem:$0x10100] =	vst v63  }
0x54: {  	v3 =	vadd.s32 v1, v3  }
0x55: {  	[hbm4b:s5+s2] =	stream.indirect_vreg.scatter [tilespmem:s10], [sflag:$0x1], $0x80, v4, vm0, $0xb8;
	[tilespmem:$0x10100] =	vst v63  }
0x56: {  	_ = 	snop  }
0x57: {  	[hbm4b:s6+s2] =	stream.indirect_vreg.scatter [tilespmem:s11], [sflag:$0x1], $0x80, v4, vm0, $0xb8;
	[tilespmem:$0x10100] =	vst v63  }
0x58: {  	_ = 	snop  }
0x59: {  	[hbm4b:s3+s2] =	stream.indirect_vreg.scatter [tilespmem:s12], [sflag:$0x1], $0x80, v3, vm0, $0xb8;
	[tilespmem:$0x10100] =	vst v63  }
0x5a: {  	_ = 	snop  }
0x5b: {  	[hbm4b:s4+s2] =	stream.indirect_vreg.scatter [tilespmem:s13], [sflag:$0x1], $0x80, v3, vm0, $0xb8;
	[tilespmem:$0x10100] =	vst v63  }
0x5c: {  	_ = 	snop  }
0x5d: {  	[hbm4b:s5+s2] =	stream.indirect_vreg.scatter [tilespmem:s14], [sflag:$0x1], $0x80, v3, vm0, $0xb8;
	[tilespmem:$0x10100] =	vst v63  }
0x5e: {  	_ = 	snop  }
0x5f: {  	[hbm4b:s6+s2] =	stream.indirect_vreg.scatter [tilespmem:s15], [sflag:$0x1], $0x80, v3, vm0, $0xb8;
	[tilespmem:$0x10100] =	vst v63  }
0x60: {  	v3 =	vld [tilespmem:$0x10030];
	_ =	sdelay $0x4  }
0x61: {  	v59 =	vshll.u32 v3, $0x3  }
0x62: {  	v3 =	vand.u32 $0x7, v3;
	v4 =	vand.u32 $0xFFFFFFC0, v59  }
0x63: {  	v3 =	vor.u32 v3, v4  }
0x64: {  	v4 =	vperm.xlane v3, v0;
	_ =	sdelay $0x1  }
0x65: {  	v4 =	vadd.s32 v1, v4;
	_ =	sdelay $0x3  }
0x66: {  	s0 =	simm.s32 $0xC000  }
0x67: {  	[hbm4b:s3+s2] =	stream.indirect_vreg.scatter [tilespmem:s0], [sflag:$0x1], $0x80, v4, vm0, $0xb8;
	[tilespmem:$0x10100] =	vst v63  }
0x68: {  	v3 =	vperm.xlane v3, v2;
	s0 =	simm.s32 $0xC800  }
0x69: {  	[hbm4b:s4+s2] =	stream.indirect_vreg.scatter [tilespmem:s0], [sflag:$0x1], $0x80, v4, vm0, $0xb8;
	[tilespmem:$0x10100] =	vst v63  }
0x6a: {  	v3 =	vadd.s32 v1, v3;
	s0 =	simm.s32 $0xD000  }
0x6b: {  	[hbm4b:s5+s2] =	stream.indirect_vreg.scatter [tilespmem:s0], [sflag:$0x1], $0x80, v4, vm0, $0xb8;
	[tilespmem:$0x10100] =	vst v63  }
0x6c: {  	s0 =	simm.s32 $0xD800  }
0x6d: {  	[hbm4b:s6+s2] =	stream.indirect_vreg.scatter [tilespmem:s0], [sflag:$0x1], $0x80, v4, vm0, $0xb8;
	[tilespmem:$0x10100] =	vst v63  }
0x6e: {  	s0 =	simm.s32 $0xE000  }
0x6f: {  	[hbm4b:s3+s2] =	stream.indirect_vreg.scatter [tilespmem:s0], [sflag:$0x1], $0x80, v3, vm0, $0xb8;
	[tilespmem:$0x10100] =	vst v63  }
0x70: {  	s0 =	simm.s32 $0xE800  }
0x71: {  	[hbm4b:s4+s2] =	stream.indirect_vreg.scatter [tilespmem:s0], [sflag:$0x1], $0x80, v3, vm0, $0xb8;
	[tilespmem:$0x10100] =	vst v63  }
0x72: {  	s0 =	simm.s32 $0xF000  }
0x73: {  	[hbm4b:s5+s2] =	stream.indirect_vreg.scatter [tilespmem:s0], [sflag:$0x1], $0x80, v3, vm0, $0xb8;
	[tilespmem:$0x10100] =	vst v63  }
0x74: {  	s0 =	simm.s32 $0xF800  }
0x75: {  	[hbm4b:s6+s2] =	stream.indirect_vreg.scatter [tilespmem:s0], [sflag:$0x1], $0x80, v3, vm0, $0xb8;
	[tilespmem:$0x10100] =	vst v63  }
0x76: {  	_ =	swait.ge [sflag:s16], $0x10000  }
0x77: {  	[sflag:s16] =	ssyncset.done $0x0  }
0x78: {  	[sflag:s16] =	ssyncadd.s32 $0xFFFF0000  }
0x79: {  	v3 =	vld [tilespmem:$0x10080];
	_ =	sdelay $0x4  }
0x7a: {  	v60 =	vshll.u32 v3, $0x3  }
0x7b: {  	v3 =	vand.u32 $0x7, v3;
	v4 =	vand.u32 $0xFFFFFFC0, v60  }
0x7c: {  	v3 =	vor.u32 v3, v4  }
0x7d: {  	v4 =	vperm.xlane v3, v0;
	_ =	sdelay $0x1  }
0x7e: {  	v4 =	vadd.s32 v1, v4;
	_ =	sdelay $0x4  }
0x7f: {  	[hbm4b:s3+s2] =	stream.indirect_vreg.scatter [tilespmem:s2], [sflag:$0x1], $0x80, v4, vm0, $0xb8;
	[tilespmem:$0x10100] =	vst v63  }
0x80: {  	v3 =	vperm.xlane v3, v2  }
0x81: {  	[hbm4b:s4+s2] =	stream.indirect_vreg.scatter [tilespmem:s17], [sflag:$0x1], $0x80, v4, vm0, $0xb8;
	[tilespmem:$0x10100] =	vst v63  }
0x82: {  	v3 =	vadd.s32 v1, v3  }
0x83: {  	[hbm4b:s5+s2] =	stream.indirect_vreg.scatter [tilespmem:s18], [sflag:$0x1], $0x80, v4, vm0, $0xb8;
	[tilespmem:$0x10100] =	vst v63  }
0x84: {  	_ = 	snop  }
0x85: {  	[hbm4b:s6+s2] =	stream.indirect_vreg.scatter [tilespmem:s19], [sflag:$0x1], $0x80, v4, vm0, $0xb8;
	[tilespmem:$0x10100] =	vst v63  }
0x86: {  	_ = 	snop  }
0x87: {  	[hbm4b:s3+s2] =	stream.indirect_vreg.scatter [tilespmem:s20], [sflag:$0x1], $0x80, v3, vm0, $0xb8;
	[tilespmem:$0x10100] =	vst v63  }
0x88: {  	_ = 	snop  }
0x89: {  	[hbm4b:s4+s2] =	stream.indirect_vreg.scatter [tilespmem:s21], [sflag:$0x1], $0x80, v3, vm0, $0xb8;
	[tilespmem:$0x10100] =	vst v63  }
0x8a: {  	_ = 	snop  }
0x8b: {  	[hbm4b:s5+s2] =	stream.indirect_vreg.scatter [tilespmem:s22], [sflag:$0x1], $0x80, v3, vm0, $0xb8;
	[tilespmem:$0x10100] =	vst v63  }
0x8c: {  	_ = 	snop  }
0x8d: {  	[hbm4b:s6+s2] =	stream.indirect_vreg.scatter [tilespmem:s23], [sflag:$0x1], $0x80, v3, vm0, $0xb8;
	[tilespmem:$0x10100] =	vst v63  }
0x8e: {  	v3 =	vld [tilespmem:$0x10090];
	_ =	sdelay $0x4  }
0x8f: {  	v61 =	vshll.u32 v3, $0x3  }
0x90: {  	v3 =	vand.u32 $0x7, v3;
	v4 =	vand.u32 $0xFFFFFFC0, v61  }
0x91: {  	v3 =	vor.u32 v3, v4  }
0x92: {  	v4 =	vperm.xlane v3, v0;
	_ =	sdelay $0x1  }
0x93: {  	v4 =	vadd.s32 v1, v4;
	_ =	sdelay $0x4  }
0x94: {  	[hbm4b:s3+s2] =	stream.indirect_vreg.scatter [tilespmem:s24], [sflag:$0x1], $0x80, v4, vm0, $0xb8;
	[tilespmem:$0x10100] =	vst v63  }
0x95: {  	v3 =	vperm.xlane v3, v2  }
0x96: {  	[hbm4b:s4+s2] =	stream.indirect_vreg.scatter [tilespmem:s25], [sflag:$0x1], $0x80, v4, vm0, $0xb8;
	[tilespmem:$0x10100] =	vst v63  }
0x97: {  	v3 =	vadd.s32 v1, v3  }
0x98: {  	[hbm4b:s5+s2] =	stream.indirect_vreg.scatter [tilespmem:s26], [sflag:$0x1], $0x80, v4, vm0, $0xb8;
	[tilespmem:$0x10100] =	vst v63  }
0x99: {  	_ = 	snop  }
0x9a: {  	[hbm4b:s6+s2] =	stream.indirect_vreg.scatter [tilespmem:s28], [sflag:$0x1], $0x80, v4, vm0, $0xb8;
	[tilespmem:$0x10100] =	vst v63  }
0x9b: {  	_ = 	snop  }
0x9c: {  	[hbm4b:s3+s2] =	stream.indirect_vreg.scatter [tilespmem:s29], [sflag:$0x1], $0x80, v3, vm0, $0xb8;
	[tilespmem:$0x10100] =	vst v63  }
0x9d: {  	_ = 	snop  }
0x9e: {  	[hbm4b:s4+s2] =	stream.indirect_vreg.scatter [tilespmem:s30], [sflag:$0x1], $0x80, v3, vm0, $0xb8;
	[tilespmem:$0x10100] =	vst v63  }
0x9f: {  	_ = 	snop  }
0xa0: {  	[hbm4b:s5+s2] =	stream.indirect_vreg.scatter [tilespmem:s31], [sflag:$0x1], $0x80, v3, vm0, $0xb8;
	[tilespmem:$0x10100] =	vst v63  }
0xa1: {  	_ = 	snop  }
0xa2: {  	[hbm4b:s6+s2] =	stream.indirect_vreg.scatter [tilespmem:s1], [sflag:$0x1], $0x80, v3, vm0, $0xb8;
	[tilespmem:$0x10100] =	vst v63  }
0xa3: {  	v3 =	vld [tilespmem:$0x100A0];
	_ =	sdelay $0x4  }
0xa4: {  	v62 =	vshll.u32 v3, $0x3  }
0xa5: {  	v3 =	vand.u32 $0x7, v3;
	v4 =	vand.u32 $0xFFFFFFC0, v62  }
0xa6: {  	v3 =	vor.u32 v3, v4  }
0xa7: {  	v4 =	vperm.xlane v3, v0;
	_ =	sdelay $0x1  }
0xa8: {  	v4 =	vadd.s32 v1, v4;
	_ =	sdelay $0x3  }
0xa9: {  	s17 =	simm.s32 $0x8000  }
0xaa: {  	[hbm4b:s3+s2] =	stream.indirect_vreg.scatter [tilespmem:s17], [sflag:$0x1], $0x80, v4, vm0, $0xb8;
	[tilespmem:$0x10100] =	vst v63  }
0xab: {  	v3 =	vperm.xlane v3, v2  }
0xac: {  	[hbm4b:s4+s2] =	stream.indirect_vreg.scatter [tilespmem:s9], [sflag:$0x1], $0x80, v4, vm0, $0xb8;
	[tilespmem:$0x10100] =	vst v63  }
0xad: {  	v3 =	vadd.s32 v1, v3  }
0xae: {  	[hbm4b:s5+s2] =	stream.indirect_vreg.scatter [tilespmem:s10], [sflag:$0x1], $0x80, v4, vm0, $0xb8;
	[tilespmem:$0x10100] =	vst v63  }
0xaf: {  	_ = 	snop  }
0xb0: {  	[hbm4b:s6+s2] =	stream.indirect_vreg.scatter [tilespmem:s11], [sflag:$0x1], $0x80, v4, vm0, $0xb8;
	[tilespmem:$0x10100] =	vst v63  }
0xb1: {  	_ = 	snop  }
0xb2: {  	[hbm4b:s3+s2] =	stream.indirect_vreg.scatter [tilespmem:s12], [sflag:$0x1], $0x80, v3, vm0, $0xb8;
	[tilespmem:$0x10100] =	vst v63  }
0xb3: {  	_ = 	snop  }
0xb4: {  	[hbm4b:s4+s2] =	stream.indirect_vreg.scatter [tilespmem:s13], [sflag:$0x1], $0x80, v3, vm0, $0xb8;
	[tilespmem:$0x10100] =	vst v63  }
0xb5: {  	_ = 	snop  }
0xb6: {  	[hbm4b:s5+s2] =	stream.indirect_vreg.scatter [tilespmem:s14], [sflag:$0x1], $0x80, v3, vm0, $0xb8;
	[tilespmem:$0x10100] =	vst v63  }
0xb7: {  	_ = 	snop  }
0xb8: {  	[hbm4b:s6+s2] =	stream.indirect_vreg.scatter [tilespmem:s15], [sflag:$0x1], $0x80, v3, vm0, $0xb8;
	[tilespmem:$0x10100] =	vst v63  }
0xb9: {  	v3 =	vld [tilespmem:$0x100B0];
	_ =	sdelay $0x4  }
0xba: {  	v63 =	vshll.u32 v3, $0x3  }
0xbb: {  	v3 =	vand.u32 $0x7, v3;
	v4 =	vand.u32 $0xFFFFFFC0, v63  }
0xbc: {  	v3 =	vor.u32 v3, v4  }
0xbd: {  	v4 =	vperm.xlane v3, v0;
	_ =	sdelay $0x1  }
0xbe: {  	v4 =	vadd.s32 v1, v4;
	_ =	sdelay $0x3  }
0xbf: {  	s18 =	simm.s32 $0xC000  }
0xc0: {  	[hbm4b:s3+s2] =	stream.indirect_vreg.scatter [tilespmem:s18], [sflag:$0x1], $0x80, v4, vm0, $0xb8;
	[tilespmem:$0x10100] =	vst v63  }
0xc1: {  	s17 =	simm.s32 $0xC800;
	v3 =	vperm.xlane v3, v2  }
0xc2: {  	[hbm4b:s4+s2] =	stream.indirect_vreg.scatter [tilespmem:s17], [sflag:$0x1], $0x80, v4, vm0, $0xb8;
	[tilespmem:$0x10100] =	vst v63  }
0xc3: {  	v3 =	vadd.s32 v1, v3;
	s18 =	simm.s32 $0xD000  }
0xc4: {  	[hbm4b:s5+s2] =	stream.indirect_vreg.scatter [tilespmem:s18], [sflag:$0x1], $0x80, v4, vm0, $0xb8;
	[tilespmem:$0x10100] =	vst v63  }
0xc5: {  	s17 =	simm.s32 $0xD800  }
0xc6: {  	[hbm4b:s6+s2] =	stream.indirect_vreg.scatter [tilespmem:s17], [sflag:$0x1], $0x80, v4, vm0, $0xb8;
	[tilespmem:$0x10100] =	vst v63  }
0xc7: {  	s18 =	simm.s32 $0xE000  }
0xc8: {  	[hbm4b:s3+s2] =	stream.indirect_vreg.scatter [tilespmem:s18], [sflag:$0x1], $0x80, v3, vm0, $0xb8;
	[tilespmem:$0x10100] =	vst v63  }
0xc9: {  	s17 =	simm.s32 $0xE800  }
0xca: {  	[hbm4b:s4+s2] =	stream.indirect_vreg.scatter [tilespmem:s17], [sflag:$0x1], $0x80, v3, vm0, $0xb8;
	[tilespmem:$0x10100] =	vst v63  }
0xcb: {  	p0 =	sne.s32 s7, $0x1;
	s18 =	simm.s32 $0xF000  }
0xcc: {  	[hbm4b:s5+s2] =	stream.indirect_vreg.scatter [tilespmem:s18], [sflag:$0x1], $0x80, v3, vm0, $0xb8;
	[tilespmem:$0x10100] =	vst v63  }
.Ltmp0:
0xcd: {  	_ = 	snop;
	(pc) =	sbr.rel @p0 .LBB2_1-.Ltmp0, $4  }
0xce: {  	[hbm4b:s6+s2] =	stream.indirect_vreg.scatter [tilespmem:s0], [sflag:$0x1], $0x80, v3, vm0, $0xb8;
	[tilespmem:$0x10100] =	vst v63  }
0xcf: {  	_ =	swait.ge [sflag:s16], $0x10000  }
0xd0: {  	[sflag:s16] =	ssyncset.done $0x0  }
0xd1: {  	s7 =	sadd.s32 $0xFFFFFFFF, s7;
	[sflag:s16] =	ssyncadd.s32 $0xFFFF0000  }
0xd2: {  	_ =	sfence.sel $0x180000  }
0xd3: {  	[bflag:$0x0] =	sbarrier.arrive $0xFFFF  }
0xd4: {  	_ =	strace $0x90000047  }
0xd5: {  	s0 =	stileid.u32;
	[bflag:$0x2] =	sbarrier.arrive $0xFFFF  }
0xd6: {  	p0 =	sne.s32 s0, $0x0;
	s0 =	rddreg [dreg:$0x1]  }
0xd7: {  	s0 =	sadd.s32 @!p0 $0x100000, s0  }
0xd8: {  	[sflag:s0] =	ssyncadd.tile.s32 @!p0 $0x1;
	_ =	shalt  }
.Lfunc_end2:
_tile_overlayer_lowered:
.L_overlay_start_2:
0xd9: {  	(tag) =	ssettag $0x2  }
0xda: {  	s0 =	rddreg [dreg:$0x0];
	s2 =	stileid.u32  }
0xdb: {  	s1 =	rddreg [dreg:$0x1];
	p0 =	sne.s32 s2, $0x0  }
0xdc: {  	s3 =	rddreg [dreg:$0x2];
	[bflag:$0x3] =	sbarrier.arrive $0xFFFF;
	s2 =	simm.s32 @!p0 $0x1C02  }
0xdd: {  	[timem:s3], [sflag:s2] =	dma.local @!p0 [hbm:s0], s1  }
0xde: {  	s0 =	simm.s32 @!p0 $0x2  }
0xdf: {  	_ =	swait.ge @!p0 [sflag:s0], s1  }
0xe0: {  	s1 =	ssub.s32 @!p0 $0x0, s1;
	[sflag:s0] =	ssyncset.done @!p0 $0x0  }
0xe1: {  	[sflag:s0] =	ssyncadd.s32 @!p0 s1  }
0xe2: {  	[bflag:$0x3] =	sbarrier.arrive $0xFFFF  }
0xe3: {  	_ =	shalt  }

</sc_bundles>
